<compile_context>
chip_gen: v7x
topology: tpu7x:2x2x1
jax: 0.10.2.dev20260603
libtpu: 0.0.44.dev20260713+nightly
codegen_flags: <defaults>
</compile_context>

<pallas_src>
import jax
import jax.numpy as jnp
from jax import lax
from jax.experimental import pallas as pl
from jax.experimental.pallas import tpu as pltpu
from jax.experimental.pallas import tpu_sc as plsc

B, S, E = 4, 2048, 1024
NW = 32
ROWS_PER_W = S // NW
C = 4
NCHUNK = ROWS_PER_W // C
NBUF = 6
LANES = 16
VPR = E // LANES
NVEC = C * VPR
SCALE = 32.0


def _sc_body(in_hbm, tab_hbm, out_hbm, tbuf, ibuf, sem_in, sem_out):
    wid = lax.axis_index("s") * 2 + lax.axis_index("c")
    s0 = wid * ROWS_PER_W

    def in_copies(c):
        slot = lax.rem(c, NBUF)
        row0 = s0 + c * C
        return (
            pltpu.make_async_copy(
                tab_hbm.at[pl.ds(row0, C), :], tbuf.at[slot],
                sem_in.at[slot]),
        ) + tuple(
            pltpu.make_async_copy(
                in_hbm.at[b, pl.ds(row0, C), :], ibuf.at[slot, b],
                sem_in.at[slot])
            for b in range(B))

    def out_copy(c):
        slot = lax.rem(c, NBUF)
        row0 = s0 + c * C
        return tuple(
            pltpu.make_async_copy(
                ibuf.at[slot, b], out_hbm.at[b, pl.ds(row0, C), :],
                sem_out.at[slot])
            for b in range(B))

    for c in range(NBUF - 1):
        for d in in_copies(jnp.int32(c)):
            d.start()

    def body(c, carry):
        @pl.when(c >= 1)
        def _():
            for d in out_copy(c - 1):
                d.wait()

        @pl.when(c + NBUF - 1 < NCHUNK)
        def _():
            for d in in_copies(c + NBUF - 1):
                d.start()

        for d in in_copies(c):
            d.wait()

        slot = lax.rem(c, NBUF)

        @plsc.parallel_loop(0, NVEC, unroll=8)
        def _(i):
            r = i >> 6
            off = (i & (VPR - 1)) * LANES
            tv = tbuf[slot, r, pl.ds(off, LANES)] * SCALE
            for b in range(B):
                ibuf[slot, b, r, pl.ds(off, LANES)] = (
                    ibuf[slot, b, r, pl.ds(off, LANES)] + tv)

        for d in out_copy(c):
            d.start()
        return carry

    lax.fori_loop(0, NCHUNK, body, jnp.int32(0))
    for d in out_copy(jnp.int32(NCHUNK - 1)):
        d.wait()


_sc_call = pl.kernel(
    _sc_body,
    out_type=jax.ShapeDtypeStruct((B, S, E), jnp.float32),
    mesh=plsc.VectorSubcoreMesh(core_axis_name="c", subcore_axis_name="s"),
    scratch_types=[
        pltpu.VMEM((NBUF, C, E), jnp.float32),
        pltpu.VMEM((NBUF, B, C, E), jnp.float32),
        pltpu.SemaphoreType.DMA((NBUF,)),
        pltpu.SemaphoreType.DMA((NBUF,)),
    ],
)


@jax.jit
def kernel(inputs, embedding_table, pos_encoding):
    del pos_encoding
    return _sc_call(inputs, embedding_table)

# --- scband reference (transcript-rebuilt; emitter-appended) ---
"""Pipeline reference for scband-positional-embedding-463856468304 (READ-ONLY COPY).

The authoritative reference and input builder live on the scoring server;
editing this copy changes nothing except your own understanding.
"""

import jax, jax.numpy as jnp
import numpy as np


def _positional_encoding(position, d_model):
    pos = np.arange(position)[:, None]
    i = np.arange(d_model)[None, :]
    angle_rates = 1.0 / np.power(10000, 2 * (i // 2) / np.float32(d_model))
    angle_rads = pos * angle_rates
    angle_rads[:, 0::2] = np.sin(angle_rads[:, 0::2])
    angle_rads[:, 1::2] = np.cos(angle_rads[:, 1::2])
    return jnp.asarray(angle_rads, dtype=jnp.float32)


def setup_inputs(seed: int = 0) -> dict:
    key = jax.random.key(seed)
    k1, k2 = jax.random.split(key)
    inputs = jax.random.normal(k1, (4, 2048, 1024), dtype=jnp.float32)
    # learned embedding table sized per init_kwargs (dict_size=32000, embedding_size=1024)
    embedding_table = jax.random.normal(k2, (32000, 1024), dtype=jnp.float32) * 0.02
    # fixed sinusoidal positional encoding buffer (max_sequence_size=2048)
    pos_encoding = _positional_encoding(2048, 1024)
    return {"inputs": inputs, "embedding_table": embedding_table, "pos_encoding": pos_encoding}


def reference(inputs, embedding_table, pos_encoding):
    B, S, E = inputs.shape
    positions = jnp.tile(jnp.arange(S, dtype=jnp.int32)[None, :], (B, 1))
    # NOTE: the original module embeds POSITIONS through the dict embedding table
    dict_emb = jnp.take(embedding_table, positions, axis=0)
    dict_emb = dict_emb * jnp.sqrt(jnp.asarray(E, dtype=jnp.float32))
    # gathered but unused in the original forward (dead code kept for faithfulness)
    pos_emb = jnp.take(pos_encoding, positions, axis=0)
    return dict_emb + inputs

if __name__ == "__main__":
    import jax
    _d = setup_inputs()
    print(jax.jit(kernel)(*tuple(_d.values())))

</pallas_src>

<mosaic_0001>
#map = affine_map<(d0, d1) -> (0, 0, 0)>
#map1 = affine_map<(d0, d1) -> (0, 0)>
module attributes {stable_mosaic.version = 14 : i64} {
  func.func @_sc_body(%arg0: i32, %arg1: i32, %arg2: memref<4x2048x1024xf32, #tpu.memory_space<hbm>>, %arg3: memref<32000x1024xf32, #tpu.memory_space<hbm>>, %arg4: memref<4x2048x1024xf32, #tpu.memory_space<hbm>>, %arg5: memref<6x4x1024xf32, #tpu.memory_space<vmem>>, %arg6: memref<6x4x4x1024xf32, #tpu.memory_space<vmem>>, %arg7: memref<6x!tpu.dma_semaphore, #tpu.memory_space<semaphore_mem>>, %arg8: memref<6x!tpu.dma_semaphore, #tpu.memory_space<semaphore_mem>>) attributes {dimension_semantics = [#tpu.dimension_semantics<core_parallel>, #tpu.dimension_semantics<subcore_parallel>], iteration_bounds = array<i64: 2, 16>, scalar_prefetch = 0 : i64, scratch_operands = 4 : i64, tpu.core_type = #tpu.core_type<sc_vector_subcore>, window_params = [{transform_indices = #map}, {transform_indices = #map1}, {transform_indices = #map}]} {
    %mul3A = arith.constant 2 : i32
    %mul3A_0 = arith.muli %arg1, %mul3A : i32
    %add3A = arith.addi %mul3A_0, %arg0 : i32
    %mul3A_1 = arith.constant 64 : i32
    %mul3A_2 = arith.muli %add3A, %mul3A_1 : i32
    %rem3A = arith.constant 0 : i32
    %rem3A_3 = arith.constant 6 : i32
    %rem3A_4 = arith.remsi %rem3A, %rem3A_3 : i32
    %mul3A_5 = arith.constant 0 : i32
    %mul3A_6 = arith.constant 4 : i32
    %mul3A_7 = arith.muli %mul3A_5, %mul3A_6 : i32
    %add3A_8 = arith.addi %mul3A_2, %mul3A_7 : i32
    %dma_start3A = arith.constant 0 : i32
    %dma_start3A_9 = arith.constant 0 : i32
    %dma_start3A_10 = tpu.memref_slice %arg5[%rem3A_4, %dma_start3A, %dma_start3A_9] : memref<6x4x1024xf32, #tpu.memory_space<vmem>> -> memref<1x4x1024xf32, #tpu.memory_space<vmem>>
    %dma_start3A_11 = tpu.memref_squeeze %dma_start3A_10 : memref<1x4x1024xf32, #tpu.memory_space<vmem>> -> memref<4x1024xf32, #tpu.memory_space<vmem>>
    %dma_start3A_12 = arith.constant 0 : i32
    %dma_start3A_13 = tpu.memref_slice %arg3[%add3A_8, %dma_start3A_12] : memref<32000x1024xf32, #tpu.memory_space<hbm>> -> memref<4x1024xf32, #tpu.memory_space<hbm>>
    %dma_start3A_14 = tpu.memref_slice %arg7[%rem3A_4] : memref<6x!tpu.dma_semaphore, #tpu.memory_space<semaphore_mem>> -> memref<1x!tpu.dma_semaphore, #tpu.memory_space<semaphore_mem>>
    %dma_start3A_15 = tpu.memref_squeeze %dma_start3A_14 : memref<1x!tpu.dma_semaphore, #tpu.memory_space<semaphore_mem>> -> memref<!tpu.dma_semaphore, #tpu.memory_space<semaphore_mem>>
    %dma_start3A_16 = arith.constant 0 : i32
    %dma_start3A_17 = arith.constant 0 : i32
    %dma_start3A_18 = tpu.memref_slice %arg5[%rem3A_4, %dma_start3A_16, %dma_start3A_17] : memref<6x4x1024xf32, #tpu.memory_space<vmem>> -> memref<1x4x1024xf32, #tpu.memory_space<vmem>>
    %dma_start3A_19 = tpu.memref_squeeze %dma_start3A_18 : memref<1x4x1024xf32, #tpu.memory_space<vmem>> -> memref<4x1024xf32, #tpu.memory_space<vmem>>
    %dma_start3A_20 = arith.constant 0 : i32
    %dma_start3A_21 = tpu.memref_slice %arg3[%add3A_8, %dma_start3A_20] : memref<32000x1024xf32, #tpu.memory_space<hbm>> -> memref<4x1024xf32, #tpu.memory_space<hbm>>
    tpu.enqueue_dma source(%dma_start3A_21 : memref<4x1024xf32, #tpu.memory_space<hbm>>) target(%dma_start3A_19 : memref<4x1024xf32, #tpu.memory_space<vmem>>) target_semaphore(%dma_start3A_15 : memref<!tpu.dma_semaphore, #tpu.memory_space<semaphore_mem>>)
    %dma_start3A_22 = arith.constant 0 : i32
    %dma_start3A_23 = arith.constant 0 : i32
    %dma_start3A_24 = arith.constant 0 : i32
    %dma_start3A_25 = arith.constant 0 : i32
    %dma_start3A_26 = tpu.memref_slice %arg6[%rem3A_4, %dma_start3A_23, %dma_start3A_24, %dma_start3A_25] : memref<6x4x4x1024xf32, #tpu.memory_space<vmem>> -> memref<1x1x4x1024xf32, #tpu.memory_space<vmem>>
    %dma_start3A_27 = tpu.memref_squeeze %dma_start3A_26 : memref<1x1x4x1024xf32, #tpu.memory_space<vmem>> -> memref<4x1024xf32, #tpu.memory_space<vmem>>
    %dma_start3A_28 = arith.constant 0 : i32
    %dma_start3A_29 = tpu.memref_slice %arg2[%dma_start3A_22, %add3A_8, %dma_start3A_28] : memref<4x2048x1024xf32, #tpu.memory_space<hbm>> -> memref<1x4x1024xf32, #tpu.memory_space<hbm>>
    %dma_start3A_30 = tpu.memref_squeeze %dma_start3A_29 : memref<1x4x1024xf32, #tpu.memory_space<hbm>> -> memref<4x1024xf32, #tpu.memory_space<hbm>>
    %dma_start3A_31 = tpu.memref_slice %arg7[%rem3A_4] : memref<6x!tpu.dma_semaphore, #tpu.memory_space<semaphore_mem>> -> memref<1x!tpu.dma_semaphore, #tpu.memory_space<semaphore_mem>>
    %dma_start3A_32 = tpu.memref_squeeze %dma_start3A_31 : memref<1x!tpu.dma_semaphore, #tpu.memory_space<semaphore_mem>> -> memref<!tpu.dma_semaphore, #tpu.memory_space<semaphore_mem>>
    %dma_start3A_33 = arith.constant 0 : i32
    %dma_start3A_34 = arith.constant 0 : i32
    %dma_start3A_35 = tpu.memref_slice %arg6[%rem3A_4, %dma_start3A_23, %dma_start3A_33, %dma_start3A_34] : memref<6x4x4x1024xf32, #tpu.memory_space<vmem>> -> memref<1x1x4x1024xf32, #tpu.memory_space<vmem>>
    %dma_start3A_36 = tpu.memref_squeeze %dma_start3A_35 : memref<1x1x4x1024xf32, #tpu.memory_space<vmem>> -> memref<4x1024xf32, #tpu.memory_space<vmem>>
    %dma_start3A_37 = arith.constant 0 : i32
    %dma_start3A_38 = tpu.memref_slice %arg2[%dma_start3A_22, %add3A_8, %dma_start3A_37] : memref<4x2048x1024xf32, #tpu.memory_space<hbm>> -> memref<1x4x1024xf32, #tpu.memory_space<hbm>>
    %dma_start3A_39 = tpu.memref_squeeze %dma_start3A_38 : memref<1x4x1024xf32, #tpu.memory_space<hbm>> -> memref<4x1024xf32, #tpu.memory_space<hbm>>
    tpu.enqueue_dma source(%dma_start3A_39 : memref<4x1024xf32, #tpu.memory_space<hbm>>) target(%dma_start3A_36 : memref<4x1024xf32, #tpu.memory_space<vmem>>) target_semaphore(%dma_start3A_32 : memref<!tpu.dma_semaphore, #tpu.memory_space<semaphore_mem>>)
    %dma_start3A_40 = arith.constant 1 : i32
    %dma_start3A_41 = arith.constant 1 : i32
    %dma_start3A_42 = arith.constant 0 : i32
    %dma_start3A_43 = arith.constant 0 : i32
    %dma_start3A_44 = tpu.memref_slice %arg6[%rem3A_4, %dma_start3A_41, %dma_start3A_42, %dma_start3A_43] : memref<6x4x4x1024xf32, #tpu.memory_space<vmem>> -> memref<1x1x4x1024xf32, #tpu.memory_space<vmem>>
    %dma_start3A_45 = tpu.memref_squeeze %dma_start3A_44 : memref<1x1x4x1024xf32, #tpu.memory_space<vmem>> -> memref<4x1024xf32, #tpu.memory_space<vmem>>
    %dma_start3A_46 = arith.constant 0 : i32
    %dma_start3A_47 = tpu.memref_slice %arg2[%dma_start3A_40, %add3A_8, %dma_start3A_46] : memref<4x2048x1024xf32, #tpu.memory_space<hbm>> -> memref<1x4x1024xf32, #tpu.memory_space<hbm>>
    %dma_start3A_48 = tpu.memref_squeeze %dma_start3A_47 : memref<1x4x1024xf32, #tpu.memory_space<hbm>> -> memref<4x1024xf32, #tpu.memory_space<hbm>>
    %dma_start3A_49 = tpu.memref_slice %arg7[%rem3A_4] : memref<6x!tpu.dma_semaphore, #tpu.memory_space<semaphore_mem>> -> memref<1x!tpu.dma_semaphore, #tpu.memory_space<semaphore_mem>>
    %dma_start3A_50 = tpu.memref_squeeze %dma_start3A_49 : memref<1x!tpu.dma_semaphore, #tpu.memory_space<semaphore_mem>> -> memref<!tpu.dma_semaphore, #tpu.memory_space<semaphore_mem>>
    %dma_start3A_51 = arith.constant 0 : i32
    %dma_start3A_52 = arith.constant 0 : i32
    %dma_start3A_53 = tpu.memref_slice %arg6[%rem3A_4, %dma_start3A_41, %dma_start3A_51, %dma_start3A_52] : memref<6x4x4x1024xf32, #tpu.memory_space<vmem>> -> memref<1x1x4x1024xf32, #tpu.memory_space<vmem>>
    %dma_start3A_54 = tpu.memref_squeeze %dma_start3A_53 : memref<1x1x4x1024xf32, #tpu.memory_space<vmem>> -> memref<4x1024xf32, #tpu.memory_space<vmem>>
    %dma_start3A_55 = arith.constant 0 : i32
    %dma_start3A_56 = tpu.memref_slice %arg2[%dma_start3A_40, %add3A_8, %dma_start3A_55] : memref<4x2048x1024xf32, #tpu.memory_space<hbm>> -> memref<1x4x1024xf32, #tpu.memory_space<hbm>>
    %dma_start3A_57 = tpu.memref_squeeze %dma_start3A_56 : memref<1x4x1024xf32, #tpu.memory_space<hbm>> -> memref<4x1024xf32, #tpu.memory_space<hbm>>
    tpu.enqueue_dma source(%dma_start3A_57 : memref<4x1024xf32, #tpu.memory_space<hbm>>) target(%dma_start3A_54 : memref<4x1024xf32, #tpu.memory_space<vmem>>) target_semaphore(%dma_start3A_50 : memref<!tpu.dma_semaphore, #tpu.memory_space<semaphore_mem>>)
    %dma_start3A_58 = arith.constant 2 : i32
    %dma_start3A_59 = arith.constant 2 : i32
    %dma_start3A_60 = arith.constant 0 : i32
    %dma_start3A_61 = arith.constant 0 : i32
    %dma_start3A_62 = tpu.memref_slice %arg6[%rem3A_4, %dma_start3A_59, %dma_start3A_60, %dma_start3A_61] : memref<6x4x4x1024xf32, #tpu.memory_space<vmem>> -> memref<1x1x4x1024xf32, #tpu.memory_space<vmem>>
    %dma_start3A_63 = tpu.memref_squeeze %dma_start3A_62 : memref<1x1x4x1024xf32, #tpu.memory_space<vmem>> -> memref<4x1024xf32, #tpu.memory_space<vmem>>
    %dma_start3A_64 = arith.constant 0 : i32
    %dma_start3A_65 = tpu.memref_slice %arg2[%dma_start3A_58, %add3A_8, %dma_start3A_64] : memref<4x2048x1024xf32, #tpu.memory_space<hbm>> -> memref<1x4x1024xf32, #tpu.memory_space<hbm>>
    %dma_start3A_66 = tpu.memref_squeeze %dma_start3A_65 : memref<1x4x1024xf32, #tpu.memory_space<hbm>> -> memref<4x1024xf32, #tpu.memory_space<hbm>>
    %dma_start3A_67 = tpu.memref_slice %arg7[%rem3A_4] : memref<6x!tpu.dma_semaphore, #tpu.memory_space<semaphore_mem>> -> memref<1x!tpu.dma_semaphore, #tpu.memory_space<semaphore_mem>>
    %dma_start3A_68 = tpu.memref_squeeze %dma_start3A_67 : memref<1x!tpu.dma_semaphore, #tpu.memory_space<semaphore_mem>> -> memref<!tpu.dma_semaphore, #tpu.memory_space<semaphore_mem>>
    %dma_start3A_69 = arith.constant 0 : i32
    %dma_start3A_70 = arith.constant 0 : i32
    %dma_start3A_71 = tpu.memref_slice %arg6[%rem3A_4, %dma_start3A_59, %dma_start3A_69, %dma_start3A_70] : memref<6x4x4x1024xf32, #tpu.memory_space<vmem>> -> memref<1x1x4x1024xf32, #tpu.memory_space<vmem>>
    %dma_start3A_72 = tpu.memref_squeeze %dma_start3A_71 : memref<1x1x4x1024xf32, #tpu.memory_space<vmem>> -> memref<4x1024xf32, #tpu.memory_space<vmem>>
    %dma_start3A_73 = arith.constant 0 : i32
    %dma_start3A_74 = tpu.memref_slice %arg2[%dma_start3A_58, %add3A_8, %dma_start3A_73] : memref<4x2048x1024xf32, #tpu.memory_space<hbm>> -> memref<1x4x1024xf32, #tpu.memory_space<hbm>>
    %dma_start3A_75 = tpu.memref_squeeze %dma_start3A_74 : memref<1x4x1024xf32, #tpu.memory_space<hbm>> -> memref<4x1024xf32, #tpu.memory_space<hbm>>
    tpu.enqueue_dma source(%dma_start3A_75 : memref<4x1024xf32, #tpu.memory_space<hbm>>) target(%dma_start3A_72 : memref<4x1024xf32, #tpu.memory_space<vmem>>) target_semaphore(%dma_start3A_68 : memref<!tpu.dma_semaphore, #tpu.memory_space<semaphore_mem>>)
    %dma_start3A_76 = arith.constant 3 : i32
    %dma_start3A_77 = arith.constant 3 : i32
    %dma_start3A_78 = arith.constant 0 : i32
    %dma_start3A_79 = arith.constant 0 : i32
    %dma_start3A_80 = tpu.memref_slice %arg6[%rem3A_4, %dma_start3A_77, %dma_start3A_78, %dma_start3A_79] : memref<6x4x4x1024xf32, #tpu.memory_space<vmem>> -> memref<1x1x4x1024xf32, #tpu.memory_space<vmem>>
    %dma_start3A_81 = tpu.memref_squeeze %dma_start3A_80 : memref<1x1x4x1024xf32, #tpu.memory_space<vmem>> -> memref<4x1024xf32, #tpu.memory_space<vmem>>
    %dma_start3A_82 = arith.constant 0 : i32
    %dma_start3A_83 = tpu.memref_slice %arg2[%dma_start3A_76, %add3A_8, %dma_start3A_82] : memref<4x2048x1024xf32, #tpu.memory_space<hbm>> -> memref<1x4x1024xf32, #tpu.memory_space<hbm>>
    %dma_start3A_84 = tpu.memref_squeeze %dma_start3A_83 : memref<1x4x1024xf32, #tpu.memory_space<hbm>> -> memref<4x1024xf32, #tpu.memory_space<hbm>>
    %dma_start3A_85 = tpu.memref_slice %arg7[%rem3A_4] : memref<6x!tpu.dma_semaphore, #tpu.memory_space<semaphore_mem>> -> memref<1x!tpu.dma_semaphore, #tpu.memory_space<semaphore_mem>>
    %dma_start3A_86 = tpu.memref_squeeze %dma_start3A_85 : memref<1x!tpu.dma_semaphore, #tpu.memory_space<semaphore_mem>> -> memref<!tpu.dma_semaphore, #tpu.memory_space<semaphore_mem>>
    %dma_start3A_87 = arith.constant 0 : i32
    %dma_start3A_88 = arith.constant 0 : i32
    %dma_start3A_89 = tpu.memref_slice %arg6[%rem3A_4, %dma_start3A_77, %dma_start3A_87, %dma_start3A_88] : memref<6x4x4x1024xf32, #tpu.memory_space<vmem>> -> memref<1x1x4x1024xf32, #tpu.memory_space<vmem>>
    %dma_start3A_90 = tpu.memref_squeeze %dma_start3A_89 : memref<1x1x4x1024xf32, #tpu.memory_space<vmem>> -> memref<4x1024xf32, #tpu.memory_space<vmem>>
    %dma_start3A_91 = arith.constant 0 : i32
    %dma_start3A_92 = tpu.memref_slice %arg2[%dma_start3A_76, %add3A_8, %dma_start3A_91] : memref<4x2048x1024xf32, #tpu.memory_space<hbm>> -> memref<1x4x1024xf32, #tpu.memory_space<hbm>>
    %dma_start3A_93 = tpu.memref_squeeze %dma_start3A_92 : memref<1x4x1024xf32, #tpu.memory_space<hbm>> -> memref<4x1024xf32, #tpu.memory_space<hbm>>
    tpu.enqueue_dma source(%dma_start3A_93 : memref<4x1024xf32, #tpu.memory_space<hbm>>) target(%dma_start3A_90 : memref<4x1024xf32, #tpu.memory_space<vmem>>) target_semaphore(%dma_start3A_86 : memref<!tpu.dma_semaphore, #tpu.memory_space<semaphore_mem>>)
    %rem3A_94 = arith.constant 1 : i32
    %rem3A_95 = arith.constant 6 : i32
    %rem3A_96 = arith.remsi %rem3A_94, %rem3A_95 : i32
    %mul3A_97 = arith.constant 1 : i32
    %mul3A_98 = arith.constant 4 : i32
    %mul3A_99 = arith.muli %mul3A_97, %mul3A_98 : i32
    %add3A_100 = arith.addi %mul3A_2, %mul3A_99 : i32
    %dma_start3A_101 = arith.constant 0 : i32
    %dma_start3A_102 = arith.constant 0 : i32
    %dma_start3A_103 = tpu.memref_slice %arg5[%rem3A_96, %dma_start3A_101, %dma_start3A_102] : memref<6x4x1024xf32, #tpu.memory_space<vmem>> -> memref<1x4x1024xf32, #tpu.memory_space<vmem>>
    %dma_start3A_104 = tpu.memref_squeeze %dma_start3A_103 : memref<1x4x1024xf32, #tpu.memory_space<vmem>> -> memref<4x1024xf32, #tpu.memory_space<vmem>>
    %dma_start3A_105 = arith.constant 0 : i32
    %dma_start3A_106 = tpu.memref_slice %arg3[%add3A_100, %dma_start3A_105] : memref<32000x1024xf32, #tpu.memory_space<hbm>> -> memref<4x1024xf32, #tpu.memory_space<hbm>>
    %dma_start3A_107 = tpu.memref_slice %arg7[%rem3A_96] : memref<6x!tpu.dma_semaphore, #tpu.memory_space<semaphore_mem>> -> memref<1x!tpu.dma_semaphore, #tpu.memory_space<semaphore_mem>>
    %dma_start3A_108 = tpu.memref_squeeze %dma_start3A_107 : memref<1x!tpu.dma_semaphore, #tpu.memory_space<semaphore_mem>> -> memref<!tpu.dma_semaphore, #tpu.memory_space<semaphore_mem>>
    %dma_start3A_109 = arith.constant 0 : i32
    %dma_start3A_110 = arith.constant 0 : i32
    %dma_start3A_111 = tpu.memref_slice %arg5[%rem3A_96, %dma_start3A_109, %dma_start3A_110] : memref<6x4x1024xf32, #tpu.memory_space<vmem>> -> memref<1x4x1024xf32, #tpu.memory_space<vmem>>
    %dma_start3A_112 = tpu.memref_squeeze %dma_start3A_111 : memref<1x4x1024xf32, #tpu.memory_space<vmem>> -> memref<4x1024xf32, #tpu.memory_space<vmem>>
    %dma_start3A_113 = arith.constant 0 : i32
    %dma_start3A_114 = tpu.memref_slice %arg3[%add3A_100, %dma_start3A_113] : memref<32000x1024xf32, #tpu.memory_space<hbm>> -> memref<4x1024xf32, #tpu.memory_space<hbm>>
    tpu.enqueue_dma source(%dma_start3A_114 : memref<4x1024xf32, #tpu.memory_space<hbm>>) target(%dma_start3A_112 : memref<4x1024xf32, #tpu.memory_space<vmem>>) target_semaphore(%dma_start3A_108 : memref<!tpu.dma_semaphore, #tpu.memory_space<semaphore_mem>>)
    %dma_start3A_115 = arith.constant 0 : i32
    %dma_start3A_116 = arith.constant 0 : i32
    %dma_start3A_117 = arith.constant 0 : i32
    %dma_start3A_118 = arith.constant 0 : i32
    %dma_start3A_119 = tpu.memref_slice %arg6[%rem3A_96, %dma_start3A_116, %dma_start3A_117, %dma_start3A_118] : memref<6x4x4x1024xf32, #tpu.memory_space<vmem>> -> memref<1x1x4x1024xf32, #tpu.memory_space<vmem>>
    %dma_start3A_120 = tpu.memref_squeeze %dma_start3A_119 : memref<1x1x4x1024xf32, #tpu.memory_space<vmem>> -> memref<4x1024xf32, #tpu.memory_space<vmem>>
    %dma_start3A_121 = arith.constant 0 : i32
    %dma_start3A_122 = tpu.memref_slice %arg2[%dma_start3A_115, %add3A_100, %dma_start3A_121] : memref<4x2048x1024xf32, #tpu.memory_space<hbm>> -> memref<1x4x1024xf32, #tpu.memory_space<hbm>>
    %dma_start3A_123 = tpu.memref_squeeze %dma_start3A_122 : memref<1x4x1024xf32, #tpu.memory_space<hbm>> -> memref<4x1024xf32, #tpu.memory_space<hbm>>
    %dma_start3A_124 = tpu.memref_slice %arg7[%rem3A_96] : memref<6x!tpu.dma_semaphore, #tpu.memory_space<semaphore_mem>> -> memref<1x!tpu.dma_semaphore, #tpu.memory_space<semaphore_mem>>
    %dma_start3A_125 = tpu.memref_squeeze %dma_start3A_124 : memref<1x!tpu.dma_semaphore, #tpu.memory_space<semaphore_mem>> -> memref<!tpu.dma_semaphore, #tpu.memory_space<semaphore_mem>>
    %dma_start3A_126 = arith.constant 0 : i32
    %dma_start3A_127 = arith.constant 0 : i32
    %dma_start3A_128 = tpu.memref_slice %arg6[%rem3A_96, %dma_start3A_116, %dma_start3A_126, %dma_start3A_127] : memref<6x4x4x1024xf32, #tpu.memory_space<vmem>> -> memref<1x1x4x1024xf32, #tpu.memory_space<vmem>>
    %dma_start3A_129 = tpu.memref_squeeze %dma_start3A_128 : memref<1x1x4x1024xf32, #tpu.memory_space<vmem>> -> memref<4x1024xf32, #tpu.memory_space<vmem>>
    %dma_start3A_130 = arith.constant 0 : i32
    %dma_start3A_131 = tpu.memref_slice %arg2[%dma_start3A_115, %add3A_100, %dma_start3A_130] : memref<4x2048x1024xf32, #tpu.memory_space<hbm>> -> memref<1x4x1024xf32, #tpu.memory_space<hbm>>
    %dma_start3A_132 = tpu.memref_squeeze %dma_start3A_131 : memref<1x4x1024xf32, #tpu.memory_space<hbm>> -> memref<4x1024xf32, #tpu.memory_space<hbm>>
    tpu.enqueue_dma source(%dma_start3A_132 : memref<4x1024xf32, #tpu.memory_space<hbm>>) target(%dma_start3A_129 : memref<4x1024xf32, #tpu.memory_space<vmem>>) target_semaphore(%dma_start3A_125 : memref<!tpu.dma_semaphore, #tpu.memory_space<semaphore_mem>>)
    %dma_start3A_133 = arith.constant 1 : i32
    %dma_start3A_134 = arith.constant 1 : i32
    %dma_start3A_135 = arith.constant 0 : i32
    %dma_start3A_136 = arith.constant 0 : i32
    %dma_start3A_137 = tpu.memref_slice %arg6[%rem3A_96, %dma_start3A_134, %dma_start3A_135, %dma_start3A_136] : memref<6x4x4x1024xf32, #tpu.memory_space<vmem>> -> memref<1x1x4x1024xf32, #tpu.memory_space<vmem>>
    %dma_start3A_138 = tpu.memref_squeeze %dma_start3A_137 : memref<1x1x4x1024xf32, #tpu.memory_space<vmem>> -> memref<4x1024xf32, #tpu.memory_space<vmem>>
    %dma_start3A_139 = arith.constant 0 : i32
    %dma_start3A_140 = tpu.memref_slice %arg2[%dma_start3A_133, %add3A_100, %dma_start3A_139] : memref<4x2048x1024xf32, #tpu.memory_space<hbm>> -> memref<1x4x1024xf32, #tpu.memory_space<hbm>>
    %dma_start3A_141 = tpu.memref_squeeze %dma_start3A_140 : memref<1x4x1024xf32, #tpu.memory_space<hbm>> -> memref<4x1024xf32, #tpu.memory_space<hbm>>
    %dma_start3A_142 = tpu.memref_slice %arg7[%rem3A_96] : memref<6x!tpu.dma_semaphore, #tpu.memory_space<semaphore_mem>> -> memref<1x!tpu.dma_semaphore, #tpu.memory_space<semaphore_mem>>
    %dma_start3A_143 = tpu.memref_squeeze %dma_start3A_142 : memref<1x!tpu.dma_semaphore, #tpu.memory_space<semaphore_mem>> -> memref<!tpu.dma_semaphore, #tpu.memory_space<semaphore_mem>>
    %dma_start3A_144 = arith.constant 0 : i32
    %dma_start3A_145 = arith.constant 0 : i32
    %dma_start3A_146 = tpu.memref_slice %arg6[%rem3A_96, %dma_start3A_134, %dma_start3A_144, %dma_start3A_145] : memref<6x4x4x1024xf32, #tpu.memory_space<vmem>> -> memref<1x1x4x1024xf32, #tpu.memory_space<vmem>>
    %dma_start3A_147 = tpu.memref_squeeze %dma_start3A_146 : memref<1x1x4x1024xf32, #tpu.memory_space<vmem>> -> memref<4x1024xf32, #tpu.memory_space<vmem>>
    %dma_start3A_148 = arith.constant 0 : i32
    %dma_start3A_149 = tpu.memref_slice %arg2[%dma_start3A_133, %add3A_100, %dma_start3A_148] : memref<4x2048x1024xf32, #tpu.memory_space<hbm>> -> memref<1x4x1024xf32, #tpu.memory_space<hbm>>
    %dma_start3A_150 = tpu.memref_squeeze %dma_start3A_149 : memref<1x4x1024xf32, #tpu.memory_space<hbm>> -> memref<4x1024xf32, #tpu.memory_space<hbm>>
    tpu.enqueue_dma source(%dma_start3A_150 : memref<4x1024xf32, #tpu.memory_space<hbm>>) target(%dma_start3A_147 : memref<4x1024xf32, #tpu.memory_space<vmem>>) target_semaphore(%dma_start3A_143 : memref<!tpu.dma_semaphore, #tpu.memory_space<semaphore_mem>>)
    %dma_start3A_151 = arith.constant 2 : i32
    %dma_start3A_152 = arith.constant 2 : i32
    %dma_start3A_153 = arith.constant 0 : i32
    %dma_start3A_154 = arith.constant 0 : i32
    %dma_start3A_155 = tpu.memref_slice %arg6[%rem3A_96, %dma_start3A_152, %dma_start3A_153, %dma_start3A_154] : memref<6x4x4x1024xf32, #tpu.memory_space<vmem>> -> memref<1x1x4x1024xf32, #tpu.memory_space<vmem>>
    %dma_start3A_156 = tpu.memref_squeeze %dma_start3A_155 : memref<1x1x4x1024xf32, #tpu.memory_space<vmem>> -> memref<4x1024xf32, #tpu.memory_space<vmem>>
    %dma_start3A_157 = arith.constant 0 : i32
    %dma_start3A_158 = tpu.memref_slice %arg2[%dma_start3A_151, %add3A_100, %dma_start3A_157] : memref<4x2048x1024xf32, #tpu.memory_space<hbm>> -> memref<1x4x1024xf32, #tpu.memory_space<hbm>>
    %dma_start3A_159 = tpu.memref_squeeze %dma_start3A_158 : memref<1x4x1024xf32, #tpu.memory_space<hbm>> -> memref<4x1024xf32, #tpu.memory_space<hbm>>
    %dma_start3A_160 = tpu.memref_slice %arg7[%rem3A_96] : memref<6x!tpu.dma_semaphore, #tpu.memory_space<semaphore_mem>> -> memref<1x!tpu.dma_semaphore, #tpu.memory_space<semaphore_mem>>
    %dma_start3A_161 = tpu.memref_squeeze %dma_start3A_160 : memref<1x!tpu.dma_semaphore, #tpu.memory_space<semaphore_mem>> -> memref<!tpu.dma_semaphore, #tpu.memory_space<semaphore_mem>>
    %dma_start3A_162 = arith.constant 0 : i32
    %dma_start3A_163 = arith.constant 0 : i32
    %dma_start3A_164 = tpu.memref_slice %arg6[%rem3A_96, %dma_start3A_152, %dma_start3A_162, %dma_start3A_163] : memref<6x4x4x1024xf32, #tpu.memory_space<vmem>> -> memref<1x1x4x1024xf32, #tpu.memory_space<vmem>>
    %dma_start3A_165 = tpu.memref_squeeze %dma_start3A_164 : memref<1x1x4x1024xf32, #tpu.memory_space<vmem>> -> memref<4x1024xf32, #tpu.memory_space<vmem>>
    %dma_start3A_166 = arith.constant 0 : i32
    %dma_start3A_167 = tpu.memref_slice %arg2[%dma_start3A_151, %add3A_100, %dma_start3A_166] : memref<4x2048x1024xf32, #tpu.memory_space<hbm>> -> memref<1x4x1024xf32, #tpu.memory_space<hbm>>
    %dma_start3A_168 = tpu.memref_squeeze %dma_start3A_167 : memref<1x4x1024xf32, #tpu.memory_space<hbm>> -> memref<4x1024xf32, #tpu.memory_space<hbm>>
    tpu.enqueue_dma source(%dma_start3A_168 : memref<4x1024xf32, #tpu.memory_space<hbm>>) target(%dma_start3A_165 : memref<4x1024xf32, #tpu.memory_space<vmem>>) target_semaphore(%dma_start3A_161 : memref<!tpu.dma_semaphore, #tpu.memory_space<semaphore_mem>>)
    %dma_start3A_169 = arith.constant 3 : i32
    %dma_start3A_170 = arith.constant 3 : i32
    %dma_start3A_171 = arith.constant 0 : i32
    %dma_start3A_172 = arith.constant 0 : i32
    %dma_start3A_173 = tpu.memref_slice %arg6[%rem3A_96, %dma_start3A_170, %dma_start3A_171, %dma_start3A_172] : memref<6x4x4x1024xf32, #tpu.memory_space<vmem>> -> memref<1x1x4x1024xf32, #tpu.memory_space<vmem>>
    %dma_start3A_174 = tpu.memref_squeeze %dma_start3A_173 : memref<1x1x4x1024xf32, #tpu.memory_space<vmem>> -> memref<4x1024xf32, #tpu.memory_space<vmem>>
    %dma_start3A_175 = arith.constant 0 : i32
    %dma_start3A_176 = tpu.memref_slice %arg2[%dma_start3A_169, %add3A_100, %dma_start3A_175] : memref<4x2048x1024xf32, #tpu.memory_space<hbm>> -> memref<1x4x1024xf32, #tpu.memory_space<hbm>>
    %dma_start3A_177 = tpu.memref_squeeze %dma_start3A_176 : memref<1x4x1024xf32, #tpu.memory_space<hbm>> -> memref<4x1024xf32, #tpu.memory_space<hbm>>
    %dma_start3A_178 = tpu.memref_slice %arg7[%rem3A_96] : memref<6x!tpu.dma_semaphore, #tpu.memory_space<semaphore_mem>> -> memref<1x!tpu.dma_semaphore, #tpu.memory_space<semaphore_mem>>
    %dma_start3A_179 = tpu.memref_squeeze %dma_start3A_178 : memref<1x!tpu.dma_semaphore, #tpu.memory_space<semaphore_mem>> -> memref<!tpu.dma_semaphore, #tpu.memory_space<semaphore_mem>>
    %dma_start3A_180 = arith.constant 0 : i32
    %dma_start3A_181 = arith.constant 0 : i32
    %dma_start3A_182 = tpu.memref_slice %arg6[%rem3A_96, %dma_start3A_170, %dma_start3A_180, %dma_start3A_181] : memref<6x4x4x1024xf32, #tpu.memory_space<vmem>> -> memref<1x1x4x1024xf32, #tpu.memory_space<vmem>>
    %dma_start3A_183 = tpu.memref_squeeze %dma_start3A_182 : memref<1x1x4x1024xf32, #tpu.memory_space<vmem>> -> memref<4x1024xf32, #tpu.memory_space<vmem>>
    %dma_start3A_184 = arith.constant 0 : i32
    %dma_start3A_185 = tpu.memref_slice %arg2[%dma_start3A_169, %add3A_100, %dma_start3A_184] : memref<4x2048x1024xf32, #tpu.memory_space<hbm>> -> memref<1x4x1024xf32, #tpu.memory_space<hbm>>
    %dma_start3A_186 = tpu.memref_squeeze %dma_start3A_185 : memref<1x4x1024xf32, #tpu.memory_space<hbm>> -> memref<4x1024xf32, #tpu.memory_space<hbm>>
    tpu.enqueue_dma source(%dma_start3A_186 : memref<4x1024xf32, #tpu.memory_space<hbm>>) target(%dma_start3A_183 : memref<4x1024xf32, #tpu.memory_space<vmem>>) target_semaphore(%dma_start3A_179 : memref<!tpu.dma_semaphore, #tpu.memory_space<semaphore_mem>>)
    %rem3A_187 = arith.constant 2 : i32
    %rem3A_188 = arith.constant 6 : i32
    %rem3A_189 = arith.remsi %rem3A_187, %rem3A_188 : i32
    %mul3A_190 = arith.constant 2 : i32
    %mul3A_191 = arith.constant 4 : i32
    %mul3A_192 = arith.muli %mul3A_190, %mul3A_191 : i32
    %add3A_193 = arith.addi %mul3A_2, %mul3A_192 : i32
    %dma_start3A_194 = arith.constant 0 : i32
    %dma_start3A_195 = arith.constant 0 : i32
    %dma_start3A_196 = tpu.memref_slice %arg5[%rem3A_189, %dma_start3A_194, %dma_start3A_195] : memref<6x4x1024xf32, #tpu.memory_space<vmem>> -> memref<1x4x1024xf32, #tpu.memory_space<vmem>>
    %dma_start3A_197 = tpu.memref_squeeze %dma_start3A_196 : memref<1x4x1024xf32, #tpu.memory_space<vmem>> -> memref<4x1024xf32, #tpu.memory_space<vmem>>
    %dma_start3A_198 = arith.constant 0 : i32
    %dma_start3A_199 = tpu.memref_slice %arg3[%add3A_193, %dma_start3A_198] : memref<32000x1024xf32, #tpu.memory_space<hbm>> -> memref<4x1024xf32, #tpu.memory_space<hbm>>
    %dma_start3A_200 = tpu.memref_slice %arg7[%rem3A_189] : memref<6x!tpu.dma_semaphore, #tpu.memory_space<semaphore_mem>> -> memref<1x!tpu.dma_semaphore, #tpu.memory_space<semaphore_mem>>
    %dma_start3A_201 = tpu.memref_squeeze %dma_start3A_200 : memref<1x!tpu.dma_semaphore, #tpu.memory_space<semaphore_mem>> -> memref<!tpu.dma_semaphore, #tpu.memory_space<semaphore_mem>>
    %dma_start3A_202 = arith.constant 0 : i32
    %dma_start3A_203 = arith.constant 0 : i32
    %dma_start3A_204 = tpu.memref_slice %arg5[%rem3A_189, %dma_start3A_202, %dma_start3A_203] : memref<6x4x1024xf32, #tpu.memory_space<vmem>> -> memref<1x4x1024xf32, #tpu.memory_space<vmem>>
    %dma_start3A_205 = tpu.memref_squeeze %dma_start3A_204 : memref<1x4x1024xf32, #tpu.memory_space<vmem>> -> memref<4x1024xf32, #tpu.memory_space<vmem>>
    %dma_start3A_206 = arith.constant 0 : i32
    %dma_start3A_207 = tpu.memref_slice %arg3[%add3A_193, %dma_start3A_206] : memref<32000x1024xf32, #tpu.memory_space<hbm>> -> memref<4x1024xf32, #tpu.memory_space<hbm>>
    tpu.enqueue_dma source(%dma_start3A_207 : memref<4x1024xf32, #tpu.memory_space<hbm>>) target(%dma_start3A_205 : memref<4x1024xf32, #tpu.memory_space<vmem>>) target_semaphore(%dma_start3A_201 : memref<!tpu.dma_semaphore, #tpu.memory_space<semaphore_mem>>)
    %dma_start3A_208 = arith.constant 0 : i32
    %dma_start3A_209 = arith.constant 0 : i32
    %dma_start3A_210 = arith.constant 0 : i32
    %dma_start3A_211 = arith.constant 0 : i32
    %dma_start3A_212 = tpu.memref_slice %arg6[%rem3A_189, %dma_start3A_209, %dma_start3A_210, %dma_start3A_211] : memref<6x4x4x1024xf32, #tpu.memory_space<vmem>> -> memref<1x1x4x1024xf32, #tpu.memory_space<vmem>>
    %dma_start3A_213 = tpu.memref_squeeze %dma_start3A_212 : memref<1x1x4x1024xf32, #tpu.memory_space<vmem>> -> memref<4x1024xf32, #tpu.memory_space<vmem>>
    %dma_start3A_214 = arith.constant 0 : i32
    %dma_start3A_215 = tpu.memref_slice %arg2[%dma_start3A_208, %add3A_193, %dma_start3A_214] : memref<4x2048x1024xf32, #tpu.memory_space<hbm>> -> memref<1x4x1024xf32, #tpu.memory_space<hbm>>
    %dma_start3A_216 = tpu.memref_squeeze %dma_start3A_215 : memref<1x4x1024xf32, #tpu.memory_space<hbm>> -> memref<4x1024xf32, #tpu.memory_space<hbm>>
    %dma_start3A_217 = tpu.memref_slice %arg7[%rem3A_189] : memref<6x!tpu.dma_semaphore, #tpu.memory_space<semaphore_mem>> -> memref<1x!tpu.dma_semaphore, #tpu.memory_space<semaphore_mem>>
    %dma_start3A_218 = tpu.memref_squeeze %dma_start3A_217 : memref<1x!tpu.dma_semaphore, #tpu.memory_space<semaphore_mem>> -> memref<!tpu.dma_semaphore, #tpu.memory_space<semaphore_mem>>
    %dma_start3A_219 = arith.constant 0 : i32
    %dma_start3A_220 = arith.constant 0 : i32
    %dma_start3A_221 = tpu.memref_slice %arg6[%rem3A_189, %dma_start3A_209, %dma_start3A_219, %dma_start3A_220] : memref<6x4x4x1024xf32, #tpu.memory_space<vmem>> -> memref<1x1x4x1024xf32, #tpu.memory_space<vmem>>
    %dma_start3A_222 = tpu.memref_squeeze %dma_start3A_221 : memref<1x1x4x1024xf32, #tpu.memory_space<vmem>> -> memref<4x1024xf32, #tpu.memory_space<vmem>>
    %dma_start3A_223 = arith.constant 0 : i32
    %dma_start3A_224 = tpu.memref_slice %arg2[%dma_start3A_208, %add3A_193, %dma_start3A_223] : memref<4x2048x1024xf32, #tpu.memory_space<hbm>> -> memref<1x4x1024xf32, #tpu.memory_space<hbm>>
    %dma_start3A_225 = tpu.memref_squeeze %dma_start3A_224 : memref<1x4x1024xf32, #tpu.memory_space<hbm>> -> memref<4x1024xf32, #tpu.memory_space<hbm>>
    tpu.enqueue_dma source(%dma_start3A_225 : memref<4x1024xf32, #tpu.memory_space<hbm>>) target(%dma_start3A_222 : memref<4x1024xf32, #tpu.memory_space<vmem>>) target_semaphore(%dma_start3A_218 : memref<!tpu.dma_semaphore, #tpu.memory_space<semaphore_mem>>)
    %dma_start3A_226 = arith.constant 1 : i32
    %dma_start3A_227 = arith.constant 1 : i32
    %dma_start3A_228 = arith.constant 0 : i32
    %dma_start3A_229 = arith.constant 0 : i32
    %dma_start3A_230 = tpu.memref_slice %arg6[%rem3A_189, %dma_start3A_227, %dma_start3A_228, %dma_start3A_229] : memref<6x4x4x1024xf32, #tpu.memory_space<vmem>> -> memref<1x1x4x1024xf32, #tpu.memory_space<vmem>>
    %dma_start3A_231 = tpu.memref_squeeze %dma_start3A_230 : memref<1x1x4x1024xf32, #tpu.memory_space<vmem>> -> memref<4x1024xf32, #tpu.memory_space<vmem>>
    %dma_start3A_232 = arith.constant 0 : i32
    %dma_start3A_233 = tpu.memref_slice %arg2[%dma_start3A_226, %add3A_193, %dma_start3A_232] : memref<4x2048x1024xf32, #tpu.memory_space<hbm>> -> memref<1x4x1024xf32, #tpu.memory_space<hbm>>
    %dma_start3A_234 = tpu.memref_squeeze %dma_start3A_233 : memref<1x4x1024xf32, #tpu.memory_space<hbm>> -> memref<4x1024xf32, #tpu.memory_space<hbm>>
    %dma_start3A_235 = tpu.memref_slice %arg7[%rem3A_189] : memref<6x!tpu.dma_semaphore, #tpu.memory_space<semaphore_mem>> -> memref<1x!tpu.dma_semaphore, #tpu.memory_space<semaphore_mem>>
    %dma_start3A_236 = tpu.memref_squeeze %dma_start3A_235 : memref<1x!tpu.dma_semaphore, #tpu.memory_space<semaphore_mem>> -> memref<!tpu.dma_semaphore, #tpu.memory_space<semaphore_mem>>
    %dma_start3A_237 = arith.constant 0 : i32
    %dma_start3A_238 = arith.constant 0 : i32
    %dma_start3A_239 = tpu.memref_slice %arg6[%rem3A_189, %dma_start3A_227, %dma_start3A_237, %dma_start3A_238] : memref<6x4x4x1024xf32, #tpu.memory_space<vmem>> -> memref<1x1x4x1024xf32, #tpu.memory_space<vmem>>
    %dma_start3A_240 = tpu.memref_squeeze %dma_start3A_239 : memref<1x1x4x1024xf32, #tpu.memory_space<vmem>> -> memref<4x1024xf32, #tpu.memory_space<vmem>>
    %dma_start3A_241 = arith.constant 0 : i32
    %dma_start3A_242 = tpu.memref_slice %arg2[%dma_start3A_226, %add3A_193, %dma_start3A_241] : memref<4x2048x1024xf32, #tpu.memory_space<hbm>> -> memref<1x4x1024xf32, #tpu.memory_space<hbm>>
    %dma_start3A_243 = tpu.memref_squeeze %dma_start3A_242 : memref<1x4x1024xf32, #tpu.memory_space<hbm>> -> memref<4x1024xf32, #tpu.memory_space<hbm>>
    tpu.enqueue_dma source(%dma_start3A_243 : memref<4x1024xf32, #tpu.memory_space<hbm>>) target(%dma_start3A_240 : memref<4x1024xf32, #tpu.memory_space<vmem>>) target_semaphore(%dma_start3A_236 : memref<!tpu.dma_semaphore, #tpu.memory_space<semaphore_mem>>)
    %dma_start3A_244 = arith.constant 2 : i32
    %dma_start3A_245 = arith.constant 2 : i32
    %dma_start3A_246 = arith.constant 0 : i32
    %dma_start3A_247 = arith.constant 0 : i32
    %dma_start3A_248 = tpu.memref_slice %arg6[%rem3A_189, %dma_start3A_245, %dma_start3A_246, %dma_start3A_247] : memref<6x4x4x1024xf32, #tpu.memory_space<vmem>> -> memref<1x1x4x1024xf32, #tpu.memory_space<vmem>>
    %dma_start3A_249 = tpu.memref_squeeze %dma_start3A_248 : memref<1x1x4x1024xf32, #tpu.memory_space<vmem>> -> memref<4x1024xf32, #tpu.memory_space<vmem>>
    %dma_start3A_250 = arith.constant 0 : i32
    %dma_start3A_251 = tpu.memref_slice %arg2[%dma_start3A_244, %add3A_193, %dma_start3A_250] : memref<4x2048x1024xf32, #tpu.memory_space<hbm>> -> memref<1x4x1024xf32, #tpu.memory_space<hbm>>
    %dma_start3A_252 = tpu.memref_squeeze %dma_start3A_251 : memref<1x4x1024xf32, #tpu.memory_space<hbm>> -> memref<4x1024xf32, #tpu.memory_space<hbm>>
    %dma_start3A_253 = tpu.memref_slice %arg7[%rem3A_189] : memref<6x!tpu.dma_semaphore, #tpu.memory_space<semaphore_mem>> -> memref<1x!tpu.dma_semaphore, #tpu.memory_space<semaphore_mem>>
    %dma_start3A_254 = tpu.memref_squeeze %dma_start3A_253 : memref<1x!tpu.dma_semaphore, #tpu.memory_space<semaphore_mem>> -> memref<!tpu.dma_semaphore, #tpu.memory_space<semaphore_mem>>
    %dma_start3A_255 = arith.constant 0 : i32
    %dma_start3A_256 = arith.constant 0 : i32
    %dma_start3A_257 = tpu.memref_slice %arg6[%rem3A_189, %dma_start3A_245, %dma_start3A_255, %dma_start3A_256] : memref<6x4x4x1024xf32, #tpu.memory_space<vmem>> -> memref<1x1x4x1024xf32, #tpu.memory_space<vmem>>
    %dma_start3A_258 = tpu.memref_squeeze %dma_start3A_257 : memref<1x1x4x1024xf32, #tpu.memory_space<vmem>> -> memref<4x1024xf32, #tpu.memory_space<vmem>>
    %dma_start3A_259 = arith.constant 0 : i32
    %dma_start3A_260 = tpu.memref_slice %arg2[%dma_start3A_244, %add3A_193, %dma_start3A_259] : memref<4x2048x1024xf32, #tpu.memory_space<hbm>> -> memref<1x4x1024xf32, #tpu.memory_space<hbm>>
    %dma_start3A_261 = tpu.memref_squeeze %dma_start3A_260 : memref<1x4x1024xf32, #tpu.memory_space<hbm>> -> memref<4x1024xf32, #tpu.memory_space<hbm>>
    tpu.enqueue_dma source(%dma_start3A_261 : memref<4x1024xf32, #tpu.memory_space<hbm>>) target(%dma_start3A_258 : memref<4x1024xf32, #tpu.memory_space<vmem>>) target_semaphore(%dma_start3A_254 : memref<!tpu.dma_semaphore, #tpu.memory_space<semaphore_mem>>)
    %dma_start3A_262 = arith.constant 3 : i32
    %dma_start3A_263 = arith.constant 3 : i32
    %dma_start3A_264 = arith.constant 0 : i32
    %dma_start3A_265 = arith.constant 0 : i32
    %dma_start3A_266 = tpu.memref_slice %arg6[%rem3A_189, %dma_start3A_263, %dma_start3A_264, %dma_start3A_265] : memref<6x4x4x1024xf32, #tpu.memory_space<vmem>> -> memref<1x1x4x1024xf32, #tpu.memory_space<vmem>>
    %dma_start3A_267 = tpu.memref_squeeze %dma_start3A_266 : memref<1x1x4x1024xf32, #tpu.memory_space<vmem>> -> memref<4x1024xf32, #tpu.memory_space<vmem>>
    %dma_start3A_268 = arith.constant 0 : i32
    %dma_start3A_269 = tpu.memref_slice %arg2[%dma_start3A_262, %add3A_193, %dma_start3A_268] : memref<4x2048x1024xf32, #tpu.memory_space<hbm>> -> memref<1x4x1024xf32, #tpu.memory_space<hbm>>
    %dma_start3A_270 = tpu.memref_squeeze %dma_start3A_269 : memref<1x4x1024xf32, #tpu.memory_space<hbm>> -> memref<4x1024xf32, #tpu.memory_space<hbm>>
    %dma_start3A_271 = tpu.memref_slice %arg7[%rem3A_189] : memref<6x!tpu.dma_semaphore, #tpu.memory_space<semaphore_mem>> -> memref<1x!tpu.dma_semaphore, #tpu.memory_space<semaphore_mem>>
    %dma_start3A_272 = tpu.memref_squeeze %dma_start3A_271 : memref<1x!tpu.dma_semaphore, #tpu.memory_space<semaphore_mem>> -> memref<!tpu.dma_semaphore, #tpu.memory_space<semaphore_mem>>
    %dma_start3A_273 = arith.constant 0 : i32
    %dma_start3A_274 = arith.constant 0 : i32
    %dma_start3A_275 = tpu.memref_slice %arg6[%rem3A_189, %dma_start3A_263, %dma_start3A_273, %dma_start3A_274] : memref<6x4x4x1024xf32, #tpu.memory_space<vmem>> -> memref<1x1x4x1024xf32, #tpu.memory_space<vmem>>
    %dma_start3A_276 = tpu.memref_squeeze %dma_start3A_275 : memref<1x1x4x1024xf32, #tpu.memory_space<vmem>> -> memref<4x1024xf32, #tpu.memory_space<vmem>>
    %dma_start3A_277 = arith.constant 0 : i32
    %dma_start3A_278 = tpu.memref_slice %arg2[%dma_start3A_262, %add3A_193, %dma_start3A_277] : memref<4x2048x1024xf32, #tpu.memory_space<hbm>> -> memref<1x4x1024xf32, #tpu.memory_space<hbm>>
    %dma_start3A_279 = tpu.memref_squeeze %dma_start3A_278 : memref<1x4x1024xf32, #tpu.memory_space<hbm>> -> memref<4x1024xf32, #tpu.memory_space<hbm>>
    tpu.enqueue_dma source(%dma_start3A_279 : memref<4x1024xf32, #tpu.memory_space<hbm>>) target(%dma_start3A_276 : memref<4x1024xf32, #tpu.memory_space<vmem>>) target_semaphore(%dma_start3A_272 : memref<!tpu.dma_semaphore, #tpu.memory_space<semaphore_mem>>)
    %rem3A_280 = arith.constant 3 : i32
    %rem3A_281 = arith.constant 6 : i32
    %rem3A_282 = arith.remsi %rem3A_280, %rem3A_281 : i32
    %mul3A_283 = arith.constant 3 : i32
    %mul3A_284 = arith.constant 4 : i32
    %mul3A_285 = arith.muli %mul3A_283, %mul3A_284 : i32
    %add3A_286 = arith.addi %mul3A_2, %mul3A_285 : i32
    %dma_start3A_287 = arith.constant 0 : i32
    %dma_start3A_288 = arith.constant 0 : i32
    %dma_start3A_289 = tpu.memref_slice %arg5[%rem3A_282, %dma_start3A_287, %dma_start3A_288] : memref<6x4x1024xf32, #tpu.memory_space<vmem>> -> memref<1x4x1024xf32, #tpu.memory_space<vmem>>
    %dma_start3A_290 = tpu.memref_squeeze %dma_start3A_289 : memref<1x4x1024xf32, #tpu.memory_space<vmem>> -> memref<4x1024xf32, #tpu.memory_space<vmem>>
    %dma_start3A_291 = arith.constant 0 : i32
    %dma_start3A_292 = tpu.memref_slice %arg3[%add3A_286, %dma_start3A_291] : memref<32000x1024xf32, #tpu.memory_space<hbm>> -> memref<4x1024xf32, #tpu.memory_space<hbm>>
    %dma_start3A_293 = tpu.memref_slice %arg7[%rem3A_282] : memref<6x!tpu.dma_semaphore, #tpu.memory_space<semaphore_mem>> -> memref<1x!tpu.dma_semaphore, #tpu.memory_space<semaphore_mem>>
    %dma_start3A_294 = tpu.memref_squeeze %dma_start3A_293 : memref<1x!tpu.dma_semaphore, #tpu.memory_space<semaphore_mem>> -> memref<!tpu.dma_semaphore, #tpu.memory_space<semaphore_mem>>
    %dma_start3A_295 = arith.constant 0 : i32
    %dma_start3A_296 = arith.constant 0 : i32
    %dma_start3A_297 = tpu.memref_slice %arg5[%rem3A_282, %dma_start3A_295, %dma_start3A_296] : memref<6x4x1024xf32, #tpu.memory_space<vmem>> -> memref<1x4x1024xf32, #tpu.memory_space<vmem>>
    %dma_start3A_298 = tpu.memref_squeeze %dma_start3A_297 : memref<1x4x1024xf32, #tpu.memory_space<vmem>> -> memref<4x1024xf32, #tpu.memory_space<vmem>>
    %dma_start3A_299 = arith.constant 0 : i32
    %dma_start3A_300 = tpu.memref_slice %arg3[%add3A_286, %dma_start3A_299] : memref<32000x1024xf32, #tpu.memory_space<hbm>> -> memref<4x1024xf32, #tpu.memory_space<hbm>>
    tpu.enqueue_dma source(%dma_start3A_300 : memref<4x1024xf32, #tpu.memory_space<hbm>>) target(%dma_start3A_298 : memref<4x1024xf32, #tpu.memory_space<vmem>>) target_semaphore(%dma_start3A_294 : memref<!tpu.dma_semaphore, #tpu.memory_space<semaphore_mem>>)
    %dma_start3A_301 = arith.constant 0 : i32
    %dma_start3A_302 = arith.constant 0 : i32
    %dma_start3A_303 = arith.constant 0 : i32
    %dma_start3A_304 = arith.constant 0 : i32
    %dma_start3A_305 = tpu.memref_slice %arg6[%rem3A_282, %dma_start3A_302, %dma_start3A_303, %dma_start3A_304] : memref<6x4x4x1024xf32, #tpu.memory_space<vmem>> -> memref<1x1x4x1024xf32, #tpu.memory_space<vmem>>
    %dma_start3A_306 = tpu.memref_squeeze %dma_start3A_305 : memref<1x1x4x1024xf32, #tpu.memory_space<vmem>> -> memref<4x1024xf32, #tpu.memory_space<vmem>>
    %dma_start3A_307 = arith.constant 0 : i32
    %dma_start3A_308 = tpu.memref_slice %arg2[%dma_start3A_301, %add3A_286, %dma_start3A_307] : memref<4x2048x1024xf32, #tpu.memory_space<hbm>> -> memref<1x4x1024xf32, #tpu.memory_space<hbm>>
    %dma_start3A_309 = tpu.memref_squeeze %dma_start3A_308 : memref<1x4x1024xf32, #tpu.memory_space<hbm>> -> memref<4x1024xf32, #tpu.memory_space<hbm>>
    %dma_start3A_310 = tpu.memref_slice %arg7[%rem3A_282] : memref<6x!tpu.dma_semaphore, #tpu.memory_space<semaphore_mem>> -> memref<1x!tpu.dma_semaphore, #tpu.memory_space<semaphore_mem>>
    %dma_start3A_311 = tpu.memref_squeeze %dma_start3A_310 : memref<1x!tpu.dma_semaphore, #tpu.memory_space<semaphore_mem>> -> memref<!tpu.dma_semaphore, #tpu.memory_space<semaphore_mem>>
    %dma_start3A_312 = arith.constant 0 : i32
    %dma_start3A_313 = arith.constant 0 : i32
    %dma_start3A_314 = tpu.memref_slice %arg6[%rem3A_282, %dma_start3A_302, %dma_start3A_312, %dma_start3A_313] : memref<6x4x4x1024xf32, #tpu.memory_space<vmem>> -> memref<1x1x4x1024xf32, #tpu.memory_space<vmem>>
    %dma_start3A_315 = tpu.memref_squeeze %dma_start3A_314 : memref<1x1x4x1024xf32, #tpu.memory_space<vmem>> -> memref<4x1024xf32, #tpu.memory_space<vmem>>
    %dma_start3A_316 = arith.constant 0 : i32
    %dma_start3A_317 = tpu.memref_slice %arg2[%dma_start3A_301, %add3A_286, %dma_start3A_316] : memref<4x2048x1024xf32, #tpu.memory_space<hbm>> -> memref<1x4x1024xf32, #tpu.memory_space<hbm>>
    %dma_start3A_318 = tpu.memref_squeeze %dma_start3A_317 : memref<1x4x1024xf32, #tpu.memory_space<hbm>> -> memref<4x1024xf32, #tpu.memory_space<hbm>>
    tpu.enqueue_dma source(%dma_start3A_318 : memref<4x1024xf32, #tpu.memory_space<hbm>>) target(%dma_start3A_315 : memref<4x1024xf32, #tpu.memory_space<vmem>>) target_semaphore(%dma_start3A_311 : memref<!tpu.dma_semaphore, #tpu.memory_space<semaphore_mem>>)
    %dma_start3A_319 = arith.constant 1 : i32
    %dma_start3A_320 = arith.constant 1 : i32
    %dma_start3A_321 = arith.constant 0 : i32
    %dma_start3A_322 = arith.constant 0 : i32
    %dma_start3A_323 = tpu.memref_slice %arg6[%rem3A_282, %dma_start3A_320, %dma_start3A_321, %dma_start3A_322] : memref<6x4x4x1024xf32, #tpu.memory_space<vmem>> -> memref<1x1x4x1024xf32, #tpu.memory_space<vmem>>
    %dma_start3A_324 = tpu.memref_squeeze %dma_start3A_323 : memref<1x1x4x1024xf32, #tpu.memory_space<vmem>> -> memref<4x1024xf32, #tpu.memory_space<vmem>>
    %dma_start3A_325 = arith.constant 0 : i32
    %dma_start3A_326 = tpu.memref_slice %arg2[%dma_start3A_319, %add3A_286, %dma_start3A_325] : memref<4x2048x1024xf32, #tpu.memory_space<hbm>> -> memref<1x4x1024xf32, #tpu.memory_space<hbm>>
    %dma_start3A_327 = tpu.memref_squeeze %dma_start3A_326 : memref<1x4x1024xf32, #tpu.memory_space<hbm>> -> memref<4x1024xf32, #tpu.memory_space<hbm>>
    %dma_start3A_328 = tpu.memref_slice %arg7[%rem3A_282] : memref<6x!tpu.dma_semaphore, #tpu.memory_space<semaphore_mem>> -> memref<1x!tpu.dma_semaphore, #tpu.memory_space<semaphore_mem>>
    %dma_start3A_329 = tpu.memref_squeeze %dma_start3A_328 : memref<1x!tpu.dma_semaphore, #tpu.memory_space<semaphore_mem>> -> memref<!tpu.dma_semaphore, #tpu.memory_space<semaphore_mem>>
    %dma_start3A_330 = arith.constant 0 : i32
    %dma_start3A_331 = arith.constant 0 : i32
    %dma_start3A_332 = tpu.memref_slice %arg6[%rem3A_282, %dma_start3A_320, %dma_start3A_330, %dma_start3A_331] : memref<6x4x4x1024xf32, #tpu.memory_space<vmem>> -> memref<1x1x4x1024xf32, #tpu.memory_space<vmem>>
    %dma_start3A_333 = tpu.memref_squeeze %dma_start3A_332 : memref<1x1x4x1024xf32, #tpu.memory_space<vmem>> -> memref<4x1024xf32, #tpu.memory_space<vmem>>
    %dma_start3A_334 = arith.constant 0 : i32
    %dma_start3A_335 = tpu.memref_slice %arg2[%dma_start3A_319, %add3A_286, %dma_start3A_334] : memref<4x2048x1024xf32, #tpu.memory_space<hbm>> -> memref<1x4x1024xf32, #tpu.memory_space<hbm>>
    %dma_start3A_336 = tpu.memref_squeeze %dma_start3A_335 : memref<1x4x1024xf32, #tpu.memory_space<hbm>> -> memref<4x1024xf32, #tpu.memory_space<hbm>>
    tpu.enqueue_dma source(%dma_start3A_336 : memref<4x1024xf32, #tpu.memory_space<hbm>>) target(%dma_start3A_333 : memref<4x1024xf32, #tpu.memory_space<vmem>>) target_semaphore(%dma_start3A_329 : memref<!tpu.dma_semaphore, #tpu.memory_space<semaphore_mem>>)
    %dma_start3A_337 = arith.constant 2 : i32
    %dma_start3A_338 = arith.constant 2 : i32
    %dma_start3A_339 = arith.constant 0 : i32
    %dma_start3A_340 = arith.constant 0 : i32
    %dma_start3A_341 = tpu.memref_slice %arg6[%rem3A_282, %dma_start3A_338, %dma_start3A_339, %dma_start3A_340] : memref<6x4x4x1024xf32, #tpu.memory_space<vmem>> -> memref<1x1x4x1024xf32, #tpu.memory_space<vmem>>
    %dma_start3A_342 = tpu.memref_squeeze %dma_start3A_341 : memref<1x1x4x1024xf32, #tpu.memory_space<vmem>> -> memref<4x1024xf32, #tpu.memory_space<vmem>>
    %dma_start3A_343 = arith.constant 0 : i32
    %dma_start3A_344 = tpu.memref_slice %arg2[%dma_start3A_337, %add3A_286, %dma_start3A_343] : memref<4x2048x1024xf32, #tpu.memory_space<hbm>> -> memref<1x4x1024xf32, #tpu.memory_space<hbm>>
    %dma_start3A_345 = tpu.memref_squeeze %dma_start3A_344 : memref<1x4x1024xf32, #tpu.memory_space<hbm>> -> memref<4x1024xf32, #tpu.memory_space<hbm>>
    %dma_start3A_346 = tpu.memref_slice %arg7[%rem3A_282] : memref<6x!tpu.dma_semaphore, #tpu.memory_space<semaphore_mem>> -> memref<1x!tpu.dma_semaphore, #tpu.memory_space<semaphore_mem>>
    %dma_start3A_347 = tpu.memref_squeeze %dma_start3A_346 : memref<1x!tpu.dma_semaphore, #tpu.memory_space<semaphore_mem>> -> memref<!tpu.dma_semaphore, #tpu.memory_space<semaphore_mem>>
    %dma_start3A_348 = arith.constant 0 : i32
    %dma_start3A_349 = arith.constant 0 : i32
    %dma_start3A_350 = tpu.memref_slice %arg6[%rem3A_282, %dma_start3A_338, %dma_start3A_348, %dma_start3A_349] : memref<6x4x4x1024xf32, #tpu.memory_space<vmem>> -> memref<1x1x4x1024xf32, #tpu.memory_space<vmem>>
    %dma_start3A_351 = tpu.memref_squeeze %dma_start3A_350 : memref<1x1x4x1024xf32, #tpu.memory_space<vmem>> -> memref<4x1024xf32, #tpu.memory_space<vmem>>
    %dma_start3A_352 = arith.constant 0 : i32
    %dma_start3A_353 = tpu.memref_slice %arg2[%dma_start3A_337, %add3A_286, %dma_start3A_352] : memref<4x2048x1024xf32, #tpu.memory_space<hbm>> -> memref<1x4x1024xf32, #tpu.memory_space<hbm>>
    %dma_start3A_354 = tpu.memref_squeeze %dma_start3A_353 : memref<1x4x1024xf32, #tpu.memory_space<hbm>> -> memref<4x1024xf32, #tpu.memory_space<hbm>>
    tpu.enqueue_dma source(%dma_start3A_354 : memref<4x1024xf32, #tpu.memory_space<hbm>>) target(%dma_start3A_351 : memref<4x1024xf32, #tpu.memory_space<vmem>>) target_semaphore(%dma_start3A_347 : memref<!tpu.dma_semaphore, #tpu.memory_space<semaphore_mem>>)
    %dma_start3A_355 = arith.constant 3 : i32
    %dma_start3A_356 = arith.constant 3 : i32
    %dma_start3A_357 = arith.constant 0 : i32
    %dma_start3A_358 = arith.constant 0 : i32
    %dma_start3A_359 = tpu.memref_slice %arg6[%rem3A_282, %dma_start3A_356, %dma_start3A_357, %dma_start3A_358] : memref<6x4x4x1024xf32, #tpu.memory_space<vmem>> -> memref<1x1x4x1024xf32, #tpu.memory_space<vmem>>
    %dma_start3A_360 = tpu.memref_squeeze %dma_start3A_359 : memref<1x1x4x1024xf32, #tpu.memory_space<vmem>> -> memref<4x1024xf32, #tpu.memory_space<vmem>>
    %dma_start3A_361 = arith.constant 0 : i32
    %dma_start3A_362 = tpu.memref_slice %arg2[%dma_start3A_355, %add3A_286, %dma_start3A_361] : memref<4x2048x1024xf32, #tpu.memory_space<hbm>> -> memref<1x4x1024xf32, #tpu.memory_space<hbm>>
    %dma_start3A_363 = tpu.memref_squeeze %dma_start3A_362 : memref<1x4x1024xf32, #tpu.memory_space<hbm>> -> memref<4x1024xf32, #tpu.memory_space<hbm>>
    %dma_start3A_364 = tpu.memref_slice %arg7[%rem3A_282] : memref<6x!tpu.dma_semaphore, #tpu.memory_space<semaphore_mem>> -> memref<1x!tpu.dma_semaphore, #tpu.memory_space<semaphore_mem>>
    %dma_start3A_365 = tpu.memref_squeeze %dma_start3A_364 : memref<1x!tpu.dma_semaphore, #tpu.memory_space<semaphore_mem>> -> memref<!tpu.dma_semaphore, #tpu.memory_space<semaphore_mem>>
    %dma_start3A_366 = arith.constant 0 : i32
    %dma_start3A_367 = arith.constant 0 : i32
    %dma_start3A_368 = tpu.memref_slice %arg6[%rem3A_282, %dma_start3A_356, %dma_start3A_366, %dma_start3A_367] : memref<6x4x4x1024xf32, #tpu.memory_space<vmem>> -> memref<1x1x4x1024xf32, #tpu.memory_space<vmem>>
    %dma_start3A_369 = tpu.memref_squeeze %dma_start3A_368 : memref<1x1x4x1024xf32, #tpu.memory_space<vmem>> -> memref<4x1024xf32, #tpu.memory_space<vmem>>
    %dma_start3A_370 = arith.constant 0 : i32
    %dma_start3A_371 = tpu.memref_slice %arg2[%dma_start3A_355, %add3A_286, %dma_start3A_370] : memref<4x2048x1024xf32, #tpu.memory_space<hbm>> -> memref<1x4x1024xf32, #tpu.memory_space<hbm>>
    %dma_start3A_372 = tpu.memref_squeeze %dma_start3A_371 : memref<1x4x1024xf32, #tpu.memory_space<hbm>> -> memref<4x1024xf32, #tpu.memory_space<hbm>>
    tpu.enqueue_dma source(%dma_start3A_372 : memref<4x1024xf32, #tpu.memory_space<hbm>>) target(%dma_start3A_369 : memref<4x1024xf32, #tpu.memory_space<vmem>>) target_semaphore(%dma_start3A_365 : memref<!tpu.dma_semaphore, #tpu.memory_space<semaphore_mem>>)
    %rem3A_373 = arith.constant 4 : i32
    %rem3A_374 = arith.constant 6 : i32
    %rem3A_375 = arith.remsi %rem3A_373, %rem3A_374 : i32
    %mul3A_376 = arith.constant 4 : i32
    %mul3A_377 = arith.constant 4 : i32
    %mul3A_378 = arith.muli %mul3A_376, %mul3A_377 : i32
    %add3A_379 = arith.addi %mul3A_2, %mul3A_378 : i32
    %dma_start3A_380 = arith.constant 0 : i32
    %dma_start3A_381 = arith.constant 0 : i32
    %dma_start3A_382 = tpu.memref_slice %arg5[%rem3A_375, %dma_start3A_380, %dma_start3A_381] : memref<6x4x1024xf32, #tpu.memory_space<vmem>> -> memref<1x4x1024xf32, #tpu.memory_space<vmem>>
    %dma_start3A_383 = tpu.memref_squeeze %dma_start3A_382 : memref<1x4x1024xf32, #tpu.memory_space<vmem>> -> memref<4x1024xf32, #tpu.memory_space<vmem>>
    %dma_start3A_384 = arith.constant 0 : i32
    %dma_start3A_385 = tpu.memref_slice %arg3[%add3A_379, %dma_start3A_384] : memref<32000x1024xf32, #tpu.memory_space<hbm>> -> memref<4x1024xf32, #tpu.memory_space<hbm>>
    %dma_start3A_386 = tpu.memref_slice %arg7[%rem3A_375] : memref<6x!tpu.dma_semaphore, #tpu.memory_space<semaphore_mem>> -> memref<1x!tpu.dma_semaphore, #tpu.memory_space<semaphore_mem>>
    %dma_start3A_387 = tpu.memref_squeeze %dma_start3A_386 : memref<1x!tpu.dma_semaphore, #tpu.memory_space<semaphore_mem>> -> memref<!tpu.dma_semaphore, #tpu.memory_space<semaphore_mem>>
    %dma_start3A_388 = arith.constant 0 : i32
    %dma_start3A_389 = arith.constant 0 : i32
    %dma_start3A_390 = tpu.memref_slice %arg5[%rem3A_375, %dma_start3A_388, %dma_start3A_389] : memref<6x4x1024xf32, #tpu.memory_space<vmem>> -> memref<1x4x1024xf32, #tpu.memory_space<vmem>>
    %dma_start3A_391 = tpu.memref_squeeze %dma_start3A_390 : memref<1x4x1024xf32, #tpu.memory_space<vmem>> -> memref<4x1024xf32, #tpu.memory_space<vmem>>
    %dma_start3A_392 = arith.constant 0 : i32
    %dma_start3A_393 = tpu.memref_slice %arg3[%add3A_379, %dma_start3A_392] : memref<32000x1024xf32, #tpu.memory_space<hbm>> -> memref<4x1024xf32, #tpu.memory_space<hbm>>
    tpu.enqueue_dma source(%dma_start3A_393 : memref<4x1024xf32, #tpu.memory_space<hbm>>) target(%dma_start3A_391 : memref<4x1024xf32, #tpu.memory_space<vmem>>) target_semaphore(%dma_start3A_387 : memref<!tpu.dma_semaphore, #tpu.memory_space<semaphore_mem>>)
    %dma_start3A_394 = arith.constant 0 : i32
    %dma_start3A_395 = arith.constant 0 : i32
    %dma_start3A_396 = arith.constant 0 : i32
    %dma_start3A_397 = arith.constant 0 : i32
    %dma_start3A_398 = tpu.memref_slice %arg6[%rem3A_375, %dma_start3A_395, %dma_start3A_396, %dma_start3A_397] : memref<6x4x4x1024xf32, #tpu.memory_space<vmem>> -> memref<1x1x4x1024xf32, #tpu.memory_space<vmem>>
    %dma_start3A_399 = tpu.memref_squeeze %dma_start3A_398 : memref<1x1x4x1024xf32, #tpu.memory_space<vmem>> -> memref<4x1024xf32, #tpu.memory_space<vmem>>
    %dma_start3A_400 = arith.constant 0 : i32
    %dma_start3A_401 = tpu.memref_slice %arg2[%dma_start3A_394, %add3A_379, %dma_start3A_400] : memref<4x2048x1024xf32, #tpu.memory_space<hbm>> -> memref<1x4x1024xf32, #tpu.memory_space<hbm>>
    %dma_start3A_402 = tpu.memref_squeeze %dma_start3A_401 : memref<1x4x1024xf32, #tpu.memory_space<hbm>> -> memref<4x1024xf32, #tpu.memory_space<hbm>>
    %dma_start3A_403 = tpu.memref_slice %arg7[%rem3A_375] : memref<6x!tpu.dma_semaphore, #tpu.memory_space<semaphore_mem>> -> memref<1x!tpu.dma_semaphore, #tpu.memory_space<semaphore_mem>>
    %dma_start3A_404 = tpu.memref_squeeze %dma_start3A_403 : memref<1x!tpu.dma_semaphore, #tpu.memory_space<semaphore_mem>> -> memref<!tpu.dma_semaphore, #tpu.memory_space<semaphore_mem>>
    %dma_start3A_405 = arith.constant 0 : i32
    %dma_start3A_406 = arith.constant 0 : i32
    %dma_start3A_407 = tpu.memref_slice %arg6[%rem3A_375, %dma_start3A_395, %dma_start3A_405, %dma_start3A_406] : memref<6x4x4x1024xf32, #tpu.memory_space<vmem>> -> memref<1x1x4x1024xf32, #tpu.memory_space<vmem>>
    %dma_start3A_408 = tpu.memref_squeeze %dma_start3A_407 : memref<1x1x4x1024xf32, #tpu.memory_space<vmem>> -> memref<4x1024xf32, #tpu.memory_space<vmem>>
    %dma_start3A_409 = arith.constant 0 : i32
    %dma_start3A_410 = tpu.memref_slice %arg2[%dma_start3A_394, %add3A_379, %dma_start3A_409] : memref<4x2048x1024xf32, #tpu.memory_space<hbm>> -> memref<1x4x1024xf32, #tpu.memory_space<hbm>>
    %dma_start3A_411 = tpu.memref_squeeze %dma_start3A_410 : memref<1x4x1024xf32, #tpu.memory_space<hbm>> -> memref<4x1024xf32, #tpu.memory_space<hbm>>
    tpu.enqueue_dma source(%dma_start3A_411 : memref<4x1024xf32, #tpu.memory_space<hbm>>) target(%dma_start3A_408 : memref<4x1024xf32, #tpu.memory_space<vmem>>) target_semaphore(%dma_start3A_404 : memref<!tpu.dma_semaphore, #tpu.memory_space<semaphore_mem>>)
    %dma_start3A_412 = arith.constant 1 : i32
    %dma_start3A_413 = arith.constant 1 : i32
    %dma_start3A_414 = arith.constant 0 : i32
    %dma_start3A_415 = arith.constant 0 : i32
    %dma_start3A_416 = tpu.memref_slice %arg6[%rem3A_375, %dma_start3A_413, %dma_start3A_414, %dma_start3A_415] : memref<6x4x4x1024xf32, #tpu.memory_space<vmem>> -> memref<1x1x4x1024xf32, #tpu.memory_space<vmem>>
    %dma_start3A_417 = tpu.memref_squeeze %dma_start3A_416 : memref<1x1x4x1024xf32, #tpu.memory_space<vmem>> -> memref<4x1024xf32, #tpu.memory_space<vmem>>
    %dma_start3A_418 = arith.constant 0 : i32
    %dma_start3A_419 = tpu.memref_slice %arg2[%dma_start3A_412, %add3A_379, %dma_start3A_418] : memref<4x2048x1024xf32, #tpu.memory_space<hbm>> -> memref<1x4x1024xf32, #tpu.memory_space<hbm>>
    %dma_start3A_420 = tpu.memref_squeeze %dma_start3A_419 : memref<1x4x1024xf32, #tpu.memory_space<hbm>> -> memref<4x1024xf32, #tpu.memory_space<hbm>>
    %dma_start3A_421 = tpu.memref_slice %arg7[%rem3A_375] : memref<6x!tpu.dma_semaphore, #tpu.memory_space<semaphore_mem>> -> memref<1x!tpu.dma_semaphore, #tpu.memory_space<semaphore_mem>>
    %dma_start3A_422 = tpu.memref_squeeze %dma_start3A_421 : memref<1x!tpu.dma_semaphore, #tpu.memory_space<semaphore_mem>> -> memref<!tpu.dma_semaphore, #tpu.memory_space<semaphore_mem>>
    %dma_start3A_423 = arith.constant 0 : i32
    %dma_start3A_424 = arith.constant 0 : i32
    %dma_start3A_425 = tpu.memref_slice %arg6[%rem3A_375, %dma_start3A_413, %dma_start3A_423, %dma_start3A_424] : memref<6x4x4x1024xf32, #tpu.memory_space<vmem>> -> memref<1x1x4x1024xf32, #tpu.memory_space<vmem>>
    %dma_start3A_426 = tpu.memref_squeeze %dma_start3A_425 : memref<1x1x4x1024xf32, #tpu.memory_space<vmem>> -> memref<4x1024xf32, #tpu.memory_space<vmem>>
    %dma_start3A_427 = arith.constant 0 : i32
    %dma_start3A_428 = tpu.memref_slice %arg2[%dma_start3A_412, %add3A_379, %dma_start3A_427] : memref<4x2048x1024xf32, #tpu.memory_space<hbm>> -> memref<1x4x1024xf32, #tpu.memory_space<hbm>>
    %dma_start3A_429 = tpu.memref_squeeze %dma_start3A_428 : memref<1x4x1024xf32, #tpu.memory_space<hbm>> -> memref<4x1024xf32, #tpu.memory_space<hbm>>
    tpu.enqueue_dma source(%dma_start3A_429 : memref<4x1024xf32, #tpu.memory_space<hbm>>) target(%dma_start3A_426 : memref<4x1024xf32, #tpu.memory_space<vmem>>) target_semaphore(%dma_start3A_422 : memref<!tpu.dma_semaphore, #tpu.memory_space<semaphore_mem>>)
    %dma_start3A_430 = arith.constant 2 : i32
    %dma_start3A_431 = arith.constant 2 : i32
    %dma_start3A_432 = arith.constant 0 : i32
    %dma_start3A_433 = arith.constant 0 : i32
    %dma_start3A_434 = tpu.memref_slice %arg6[%rem3A_375, %dma_start3A_431, %dma_start3A_432, %dma_start3A_433] : memref<6x4x4x1024xf32, #tpu.memory_space<vmem>> -> memref<1x1x4x1024xf32, #tpu.memory_space<vmem>>
    %dma_start3A_435 = tpu.memref_squeeze %dma_start3A_434 : memref<1x1x4x1024xf32, #tpu.memory_space<vmem>> -> memref<4x1024xf32, #tpu.memory_space<vmem>>
    %dma_start3A_436 = arith.constant 0 : i32
    %dma_start3A_437 = tpu.memref_slice %arg2[%dma_start3A_430, %add3A_379, %dma_start3A_436] : memref<4x2048x1024xf32, #tpu.memory_space<hbm>> -> memref<1x4x1024xf32, #tpu.memory_space<hbm>>
    %dma_start3A_438 = tpu.memref_squeeze %dma_start3A_437 : memref<1x4x1024xf32, #tpu.memory_space<hbm>> -> memref<4x1024xf32, #tpu.memory_space<hbm>>
    %dma_start3A_439 = tpu.memref_slice %arg7[%rem3A_375] : memref<6x!tpu.dma_semaphore, #tpu.memory_space<semaphore_mem>> -> memref<1x!tpu.dma_semaphore, #tpu.memory_space<semaphore_mem>>
    %dma_start3A_440 = tpu.memref_squeeze %dma_start3A_439 : memref<1x!tpu.dma_semaphore, #tpu.memory_space<semaphore_mem>> -> memref<!tpu.dma_semaphore, #tpu.memory_space<semaphore_mem>>
    %dma_start3A_441 = arith.constant 0 : i32
    %dma_start3A_442 = arith.constant 0 : i32
    %dma_start3A_443 = tpu.memref_slice %arg6[%rem3A_375, %dma_start3A_431, %dma_start3A_441, %dma_start3A_442] : memref<6x4x4x1024xf32, #tpu.memory_space<vmem>> -> memref<1x1x4x1024xf32, #tpu.memory_space<vmem>>
    %dma_start3A_444 = tpu.memref_squeeze %dma_start3A_443 : memref<1x1x4x1024xf32, #tpu.memory_space<vmem>> -> memref<4x1024xf32, #tpu.memory_space<vmem>>
    %dma_start3A_445 = arith.constant 0 : i32
    %dma_start3A_446 = tpu.memref_slice %arg2[%dma_start3A_430, %add3A_379, %dma_start3A_445] : memref<4x2048x1024xf32, #tpu.memory_space<hbm>> -> memref<1x4x1024xf32, #tpu.memory_space<hbm>>
    %dma_start3A_447 = tpu.memref_squeeze %dma_start3A_446 : memref<1x4x1024xf32, #tpu.memory_space<hbm>> -> memref<4x1024xf32, #tpu.memory_space<hbm>>
    tpu.enqueue_dma source(%dma_start3A_447 : memref<4x1024xf32, #tpu.memory_space<hbm>>) target(%dma_start3A_444 : memref<4x1024xf32, #tpu.memory_space<vmem>>) target_semaphore(%dma_start3A_440 : memref<!tpu.dma_semaphore, #tpu.memory_space<semaphore_mem>>)
    %dma_start3A_448 = arith.constant 3 : i32
    %dma_start3A_449 = arith.constant 3 : i32
    %dma_start3A_450 = arith.constant 0 : i32
    %dma_start3A_451 = arith.constant 0 : i32
    %dma_start3A_452 = tpu.memref_slice %arg6[%rem3A_375, %dma_start3A_449, %dma_start3A_450, %dma_start3A_451] : memref<6x4x4x1024xf32, #tpu.memory_space<vmem>> -> memref<1x1x4x1024xf32, #tpu.memory_space<vmem>>
    %dma_start3A_453 = tpu.memref_squeeze %dma_start3A_452 : memref<1x1x4x1024xf32, #tpu.memory_space<vmem>> -> memref<4x1024xf32, #tpu.memory_space<vmem>>
    %dma_start3A_454 = arith.constant 0 : i32
    %dma_start3A_455 = tpu.memref_slice %arg2[%dma_start3A_448, %add3A_379, %dma_start3A_454] : memref<4x2048x1024xf32, #tpu.memory_space<hbm>> -> memref<1x4x1024xf32, #tpu.memory_space<hbm>>
    %dma_start3A_456 = tpu.memref_squeeze %dma_start3A_455 : memref<1x4x1024xf32, #tpu.memory_space<hbm>> -> memref<4x1024xf32, #tpu.memory_space<hbm>>
    %dma_start3A_457 = tpu.memref_slice %arg7[%rem3A_375] : memref<6x!tpu.dma_semaphore, #tpu.memory_space<semaphore_mem>> -> memref<1x!tpu.dma_semaphore, #tpu.memory_space<semaphore_mem>>
    %dma_start3A_458 = tpu.memref_squeeze %dma_start3A_457 : memref<1x!tpu.dma_semaphore, #tpu.memory_space<semaphore_mem>> -> memref<!tpu.dma_semaphore, #tpu.memory_space<semaphore_mem>>
    %dma_start3A_459 = arith.constant 0 : i32
    %dma_start3A_460 = arith.constant 0 : i32
    %dma_start3A_461 = tpu.memref_slice %arg6[%rem3A_375, %dma_start3A_449, %dma_start3A_459, %dma_start3A_460] : memref<6x4x4x1024xf32, #tpu.memory_space<vmem>> -> memref<1x1x4x1024xf32, #tpu.memory_space<vmem>>
    %dma_start3A_462 = tpu.memref_squeeze %dma_start3A_461 : memref<1x1x4x1024xf32, #tpu.memory_space<vmem>> -> memref<4x1024xf32, #tpu.memory_space<vmem>>
    %dma_start3A_463 = arith.constant 0 : i32
    %dma_start3A_464 = tpu.memref_slice %arg2[%dma_start3A_448, %add3A_379, %dma_start3A_463] : memref<4x2048x1024xf32, #tpu.memory_space<hbm>> -> memref<1x4x1024xf32, #tpu.memory_space<hbm>>
    %dma_start3A_465 = tpu.memref_squeeze %dma_start3A_464 : memref<1x4x1024xf32, #tpu.memory_space<hbm>> -> memref<4x1024xf32, #tpu.memory_space<hbm>>
    tpu.enqueue_dma source(%dma_start3A_465 : memref<4x1024xf32, #tpu.memory_space<hbm>>) target(%dma_start3A_462 : memref<4x1024xf32, #tpu.memory_space<vmem>>) target_semaphore(%dma_start3A_458 : memref<!tpu.dma_semaphore, #tpu.memory_space<semaphore_mem>>)
    %scan3A = arith.constant 0 : i32
    %scan3A_466 = arith.constant 0 : i32
    %scan3A_467 = arith.constant 16 : i32
    %scan3A_468 = arith.addi %scan3A_466, %scan3A_467 : i32
    %scan3A_469 = arith.constant 1 : i32
    scf.for %scan3A_549 = %scan3A_466 to %scan3A_468 step %scan3A_469  : i32 {
      %ge3A = arith.constant 1 : i32
      %ge3A_550 = arith.cmpi sge, %scan3A_549, %ge3A : i32
      %convert_element_type3A = arith.extui %ge3A_550 : i1 to i32
      %cond3A = arith.constant 0 : i32
      %cond3A_551 = arith.cmpi ne, %convert_element_type3A, %cond3A : i32
      scf.if %cond3A_551 {
        %sub3A_731 = arith.constant 1 : i32
        %sub3A_732 = arith.subi %scan3A_549, %sub3A_731 : i32
        %rem3A_733 = arith.constant 6 : i32
        %rem3A_734 = arith.remsi %sub3A_732, %rem3A_733 : i32
        %mul3A_735 = arith.constant 4 : i32
        %mul3A_736 = arith.muli %sub3A_732, %mul3A_735 : i32
        %add3A_737 = arith.addi %mul3A_2, %mul3A_736 : i32
        %dma_wait3A_738 = arith.constant 0 : i32
        %dma_wait3A_739 = arith.constant 0 : i32
        %dma_wait3A_740 = arith.constant 0 : i32
        %dma_wait3A_741 = arith.constant 0 : i32
        %dma_wait3A_742 = tpu.memref_slice %arg6[%rem3A_734, %dma_wait3A_738, %dma_wait3A_740, %dma_wait3A_741] : memref<6x4x4x1024xf32, #tpu.memory_space<vmem>> -> memref<1x1x4x1024xf32, #tpu.memory_space<vmem>>
        %dma_wait3A_743 = tpu.memref_squeeze %dma_wait3A_742 : memref<1x1x4x1024xf32, #tpu.memory_space<vmem>> -> memref<4x1024xf32, #tpu.memory_space<vmem>>
        %dma_wait3A_744 = arith.constant 0 : i32
        %dma_wait3A_745 = tpu.memref_slice %arg4[%dma_wait3A_739, %add3A_737, %dma_wait3A_744] : memref<4x2048x1024xf32, #tpu.memory_space<hbm>> -> memref<1x4x1024xf32, #tpu.memory_space<hbm>>
        %dma_wait3A_746 = tpu.memref_squeeze %dma_wait3A_745 : memref<1x4x1024xf32, #tpu.memory_space<hbm>> -> memref<4x1024xf32, #tpu.memory_space<hbm>>
        %dma_wait3A_747 = tpu.memref_slice %arg8[%rem3A_734] : memref<6x!tpu.dma_semaphore, #tpu.memory_space<semaphore_mem>> -> memref<1x!tpu.dma_semaphore, #tpu.memory_space<semaphore_mem>>
        %dma_wait3A_748 = tpu.memref_squeeze %dma_wait3A_747 : memref<1x!tpu.dma_semaphore, #tpu.memory_space<semaphore_mem>> -> memref<!tpu.dma_semaphore, #tpu.memory_space<semaphore_mem>>
        %dma_wait3A_749 = arith.constant 0 : i32
        %dma_wait3A_750 = tpu.memref_slice %arg4[%dma_wait3A_739, %add3A_737, %dma_wait3A_749] : memref<4x2048x1024xf32, #tpu.memory_space<hbm>> -> memref<1x4x1024xf32, #tpu.memory_space<hbm>>
        %dma_wait3A_751 = tpu.memref_squeeze %dma_wait3A_750 : memref<1x4x1024xf32, #tpu.memory_space<hbm>> -> memref<4x1024xf32, #tpu.memory_space<hbm>>
        %dma_wait3A_752 = arith.constant 0 : i32
        %dma_wait3A_753 = arith.constant 0 : i32
        %dma_wait3A_754 = tpu.memref_slice %arg6[%rem3A_734, %dma_wait3A_738, %dma_wait3A_752, %dma_wait3A_753] : memref<6x4x4x1024xf32, #tpu.memory_space<vmem>> -> memref<1x1x4x1024xf32, #tpu.memory_space<vmem>>
        %dma_wait3A_755 = tpu.memref_squeeze %dma_wait3A_754 : memref<1x1x4x1024xf32, #tpu.memory_space<vmem>> -> memref<4x1024xf32, #tpu.memory_space<vmem>>
        tpu.wait_dma2 semaphore(%dma_wait3A_748 : memref<!tpu.dma_semaphore, #tpu.memory_space<semaphore_mem>>) src(%dma_wait3A_755 : memref<4x1024xf32, #tpu.memory_space<vmem>>) dst(%dma_wait3A_751 : memref<4x1024xf32, #tpu.memory_space<hbm>>)
        %dma_wait3A_756 = arith.constant 1 : i32
        %dma_wait3A_757 = arith.constant 1 : i32
        %dma_wait3A_758 = arith.constant 0 : i32
        %dma_wait3A_759 = arith.constant 0 : i32
        %dma_wait3A_760 = tpu.memref_slice %arg6[%rem3A_734, %dma_wait3A_756, %dma_wait3A_758, %dma_wait3A_759] : memref<6x4x4x1024xf32, #tpu.memory_space<vmem>> -> memref<1x1x4x1024xf32, #tpu.memory_space<vmem>>
        %dma_wait3A_761 = tpu.memref_squeeze %dma_wait3A_760 : memref<1x1x4x1024xf32, #tpu.memory_space<vmem>> -> memref<4x1024xf32, #tpu.memory_space<vmem>>
        %dma_wait3A_762 = arith.constant 0 : i32
        %dma_wait3A_763 = tpu.memref_slice %arg4[%dma_wait3A_757, %add3A_737, %dma_wait3A_762] : memref<4x2048x1024xf32, #tpu.memory_space<hbm>> -> memref<1x4x1024xf32, #tpu.memory_space<hbm>>
        %dma_wait3A_764 = tpu.memref_squeeze %dma_wait3A_763 : memref<1x4x1024xf32, #tpu.memory_space<hbm>> -> memref<4x1024xf32, #tpu.memory_space<hbm>>
        %dma_wait3A_765 = tpu.memref_slice %arg8[%rem3A_734] : memref<6x!tpu.dma_semaphore, #tpu.memory_space<semaphore_mem>> -> memref<1x!tpu.dma_semaphore, #tpu.memory_space<semaphore_mem>>
        %dma_wait3A_766 = tpu.memref_squeeze %dma_wait3A_765 : memref<1x!tpu.dma_semaphore, #tpu.memory_space<semaphore_mem>> -> memref<!tpu.dma_semaphore, #tpu.memory_space<semaphore_mem>>
        %dma_wait3A_767 = arith.constant 0 : i32
        %dma_wait3A_768 = tpu.memref_slice %arg4[%dma_wait3A_757, %add3A_737, %dma_wait3A_767] : memref<4x2048x1024xf32, #tpu.memory_space<hbm>> -> memref<1x4x1024xf32, #tpu.memory_space<hbm>>
        %dma_wait3A_769 = tpu.memref_squeeze %dma_wait3A_768 : memref<1x4x1024xf32, #tpu.memory_space<hbm>> -> memref<4x1024xf32, #tpu.memory_space<hbm>>
        %dma_wait3A_770 = arith.constant 0 : i32
        %dma_wait3A_771 = arith.constant 0 : i32
        %dma_wait3A_772 = tpu.memref_slice %arg6[%rem3A_734, %dma_wait3A_756, %dma_wait3A_770, %dma_wait3A_771] : memref<6x4x4x1024xf32, #tpu.memory_space<vmem>> -> memref<1x1x4x1024xf32, #tpu.memory_space<vmem>>
        %dma_wait3A_773 = tpu.memref_squeeze %dma_wait3A_772 : memref<1x1x4x1024xf32, #tpu.memory_space<vmem>> -> memref<4x1024xf32, #tpu.memory_space<vmem>>
        tpu.wait_dma2 semaphore(%dma_wait3A_766 : memref<!tpu.dma_semaphore, #tpu.memory_space<semaphore_mem>>) src(%dma_wait3A_773 : memref<4x1024xf32, #tpu.memory_space<vmem>>) dst(%dma_wait3A_769 : memref<4x1024xf32, #tpu.memory_space<hbm>>)
        %dma_wait3A_774 = arith.constant 2 : i32
        %dma_wait3A_775 = arith.constant 2 : i32
        %dma_wait3A_776 = arith.constant 0 : i32
        %dma_wait3A_777 = arith.constant 0 : i32
        %dma_wait3A_778 = tpu.memref_slice %arg6[%rem3A_734, %dma_wait3A_774, %dma_wait3A_776, %dma_wait3A_777] : memref<6x4x4x1024xf32, #tpu.memory_space<vmem>> -> memref<1x1x4x1024xf32, #tpu.memory_space<vmem>>
        %dma_wait3A_779 = tpu.memref_squeeze %dma_wait3A_778 : memref<1x1x4x1024xf32, #tpu.memory_space<vmem>> -> memref<4x1024xf32, #tpu.memory_space<vmem>>
        %dma_wait3A_780 = arith.constant 0 : i32
        %dma_wait3A_781 = tpu.memref_slice %arg4[%dma_wait3A_775, %add3A_737, %dma_wait3A_780] : memref<4x2048x1024xf32, #tpu.memory_space<hbm>> -> memref<1x4x1024xf32, #tpu.memory_space<hbm>>
        %dma_wait3A_782 = tpu.memref_squeeze %dma_wait3A_781 : memref<1x4x1024xf32, #tpu.memory_space<hbm>> -> memref<4x1024xf32, #tpu.memory_space<hbm>>
        %dma_wait3A_783 = tpu.memref_slice %arg8[%rem3A_734] : memref<6x!tpu.dma_semaphore, #tpu.memory_space<semaphore_mem>> -> memref<1x!tpu.dma_semaphore, #tpu.memory_space<semaphore_mem>>
        %dma_wait3A_784 = tpu.memref_squeeze %dma_wait3A_783 : memref<1x!tpu.dma_semaphore, #tpu.memory_space<semaphore_mem>> -> memref<!tpu.dma_semaphore, #tpu.memory_space<semaphore_mem>>
        %dma_wait3A_785 = arith.constant 0 : i32
        %dma_wait3A_786 = tpu.memref_slice %arg4[%dma_wait3A_775, %add3A_737, %dma_wait3A_785] : memref<4x2048x1024xf32, #tpu.memory_space<hbm>> -> memref<1x4x1024xf32, #tpu.memory_space<hbm>>
        %dma_wait3A_787 = tpu.memref_squeeze %dma_wait3A_786 : memref<1x4x1024xf32, #tpu.memory_space<hbm>> -> memref<4x1024xf32, #tpu.memory_space<hbm>>
        %dma_wait3A_788 = arith.constant 0 : i32
        %dma_wait3A_789 = arith.constant 0 : i32
        %dma_wait3A_790 = tpu.memref_slice %arg6[%rem3A_734, %dma_wait3A_774, %dma_wait3A_788, %dma_wait3A_789] : memref<6x4x4x1024xf32, #tpu.memory_space<vmem>> -> memref<1x1x4x1024xf32, #tpu.memory_space<vmem>>
        %dma_wait3A_791 = tpu.memref_squeeze %dma_wait3A_790 : memref<1x1x4x1024xf32, #tpu.memory_space<vmem>> -> memref<4x1024xf32, #tpu.memory_space<vmem>>
        tpu.wait_dma2 semaphore(%dma_wait3A_784 : memref<!tpu.dma_semaphore, #tpu.memory_space<semaphore_mem>>) src(%dma_wait3A_791 : memref<4x1024xf32, #tpu.memory_space<vmem>>) dst(%dma_wait3A_787 : memref<4x1024xf32, #tpu.memory_space<hbm>>)
        %dma_wait3A_792 = arith.constant 3 : i32
        %dma_wait3A_793 = arith.constant 3 : i32
        %dma_wait3A_794 = arith.constant 0 : i32
        %dma_wait3A_795 = arith.constant 0 : i32
        %dma_wait3A_796 = tpu.memref_slice %arg6[%rem3A_734, %dma_wait3A_792, %dma_wait3A_794, %dma_wait3A_795] : memref<6x4x4x1024xf32, #tpu.memory_space<vmem>> -> memref<1x1x4x1024xf32, #tpu.memory_space<vmem>>
        %dma_wait3A_797 = tpu.memref_squeeze %dma_wait3A_796 : memref<1x1x4x1024xf32, #tpu.memory_space<vmem>> -> memref<4x1024xf32, #tpu.memory_space<vmem>>
        %dma_wait3A_798 = arith.constant 0 : i32
        %dma_wait3A_799 = tpu.memref_slice %arg4[%dma_wait3A_793, %add3A_737, %dma_wait3A_798] : memref<4x2048x1024xf32, #tpu.memory_space<hbm>> -> memref<1x4x1024xf32, #tpu.memory_space<hbm>>
        %dma_wait3A_800 = tpu.memref_squeeze %dma_wait3A_799 : memref<1x4x1024xf32, #tpu.memory_space<hbm>> -> memref<4x1024xf32, #tpu.memory_space<hbm>>
        %dma_wait3A_801 = tpu.memref_slice %arg8[%rem3A_734] : memref<6x!tpu.dma_semaphore, #tpu.memory_space<semaphore_mem>> -> memref<1x!tpu.dma_semaphore, #tpu.memory_space<semaphore_mem>>
        %dma_wait3A_802 = tpu.memref_squeeze %dma_wait3A_801 : memref<1x!tpu.dma_semaphore, #tpu.memory_space<semaphore_mem>> -> memref<!tpu.dma_semaphore, #tpu.memory_space<semaphore_mem>>
        %dma_wait3A_803 = arith.constant 0 : i32
        %dma_wait3A_804 = tpu.memref_slice %arg4[%dma_wait3A_793, %add3A_737, %dma_wait3A_803] : memref<4x2048x1024xf32, #tpu.memory_space<hbm>> -> memref<1x4x1024xf32, #tpu.memory_space<hbm>>
        %dma_wait3A_805 = tpu.memref_squeeze %dma_wait3A_804 : memref<1x4x1024xf32, #tpu.memory_space<hbm>> -> memref<4x1024xf32, #tpu.memory_space<hbm>>
        %dma_wait3A_806 = arith.constant 0 : i32
        %dma_wait3A_807 = arith.constant 0 : i32
        %dma_wait3A_808 = tpu.memref_slice %arg6[%rem3A_734, %dma_wait3A_792, %dma_wait3A_806, %dma_wait3A_807] : memref<6x4x4x1024xf32, #tpu.memory_space<vmem>> -> memref<1x1x4x1024xf32, #tpu.memory_space<vmem>>
        %dma_wait3A_809 = tpu.memref_squeeze %dma_wait3A_808 : memref<1x1x4x1024xf32, #tpu.memory_space<vmem>> -> memref<4x1024xf32, #tpu.memory_space<vmem>>
        tpu.wait_dma2 semaphore(%dma_wait3A_802 : memref<!tpu.dma_semaphore, #tpu.memory_space<semaphore_mem>>) src(%dma_wait3A_809 : memref<4x1024xf32, #tpu.memory_space<vmem>>) dst(%dma_wait3A_805 : memref<4x1024xf32, #tpu.memory_space<hbm>>)
      } else {
      }
      %add3A_552 = arith.constant 6 : i32
      %add3A_553 = arith.addi %scan3A_549, %add3A_552 : i32
      %sub3A = arith.constant 1 : i32
      %sub3A_554 = arith.subi %add3A_553, %sub3A : i32
      %lt3A = arith.constant 16 : i32
      %lt3A_555 = arith.cmpi slt, %sub3A_554, %lt3A : i32
      %convert_element_type3A_556 = arith.extui %lt3A_555 : i1 to i32
      %cond3A_557 = arith.constant 0 : i32
      %cond3A_558 = arith.cmpi ne, %convert_element_type3A_556, %cond3A_557 : i32
      scf.if %cond3A_558 {
        %add3A_731 = arith.constant 6 : i32
        %add3A_732 = arith.addi %scan3A_549, %add3A_731 : i32
        %sub3A_733 = arith.constant 1 : i32
        %sub3A_734 = arith.subi %add3A_732, %sub3A_733 : i32
        %rem3A_735 = arith.constant 6 : i32
        %rem3A_736 = arith.remsi %sub3A_734, %rem3A_735 : i32
        %mul3A_737 = arith.constant 4 : i32
        %mul3A_738 = arith.muli %sub3A_734, %mul3A_737 : i32
        %add3A_739 = arith.addi %mul3A_2, %mul3A_738 : i32
        %dma_start3A_740 = arith.constant 0 : i32
        %dma_start3A_741 = arith.constant 0 : i32
        %dma_start3A_742 = tpu.memref_slice %arg5[%rem3A_736, %dma_start3A_740, %dma_start3A_741] : memref<6x4x1024xf32, #tpu.memory_space<vmem>> -> memref<1x4x1024xf32, #tpu.memory_space<vmem>>
        %dma_start3A_743 = tpu.memref_squeeze %dma_start3A_742 : memref<1x4x1024xf32, #tpu.memory_space<vmem>> -> memref<4x1024xf32, #tpu.memory_space<vmem>>
        %dma_start3A_744 = arith.constant 0 : i32
        %dma_start3A_745 = tpu.memref_slice %arg3[%add3A_739, %dma_start3A_744] : memref<32000x1024xf32, #tpu.memory_space<hbm>> -> memref<4x1024xf32, #tpu.memory_space<hbm>>
        %dma_start3A_746 = tpu.memref_slice %arg7[%rem3A_736] : memref<6x!tpu.dma_semaphore, #tpu.memory_space<semaphore_mem>> -> memref<1x!tpu.dma_semaphore, #tpu.memory_space<semaphore_mem>>
        %dma_start3A_747 = tpu.memref_squeeze %dma_start3A_746 : memref<1x!tpu.dma_semaphore, #tpu.memory_space<semaphore_mem>> -> memref<!tpu.dma_semaphore, #tpu.memory_space<semaphore_mem>>
        %dma_start3A_748 = arith.constant 0 : i32
        %dma_start3A_749 = arith.constant 0 : i32
        %dma_start3A_750 = tpu.memref_slice %arg5[%rem3A_736, %dma_start3A_748, %dma_start3A_749] : memref<6x4x1024xf32, #tpu.memory_space<vmem>> -> memref<1x4x1024xf32, #tpu.memory_space<vmem>>
        %dma_start3A_751 = tpu.memref_squeeze %dma_start3A_750 : memref<1x4x1024xf32, #tpu.memory_space<vmem>> -> memref<4x1024xf32, #tpu.memory_space<vmem>>
        %dma_start3A_752 = arith.constant 0 : i32
        %dma_start3A_753 = tpu.memref_slice %arg3[%add3A_739, %dma_start3A_752] : memref<32000x1024xf32, #tpu.memory_space<hbm>> -> memref<4x1024xf32, #tpu.memory_space<hbm>>
        tpu.enqueue_dma source(%dma_start3A_753 : memref<4x1024xf32, #tpu.memory_space<hbm>>) target(%dma_start3A_751 : memref<4x1024xf32, #tpu.memory_space<vmem>>) target_semaphore(%dma_start3A_747 : memref<!tpu.dma_semaphore, #tpu.memory_space<semaphore_mem>>)
        %dma_start3A_754 = arith.constant 0 : i32
        %dma_start3A_755 = arith.constant 0 : i32
        %dma_start3A_756 = arith.constant 0 : i32
        %dma_start3A_757 = arith.constant 0 : i32
        %dma_start3A_758 = tpu.memref_slice %arg6[%rem3A_736, %dma_start3A_755, %dma_start3A_756, %dma_start3A_757] : memref<6x4x4x1024xf32, #tpu.memory_space<vmem>> -> memref<1x1x4x1024xf32, #tpu.memory_space<vmem>>
        %dma_start3A_759 = tpu.memref_squeeze %dma_start3A_758 : memref<1x1x4x1024xf32, #tpu.memory_space<vmem>> -> memref<4x1024xf32, #tpu.memory_space<vmem>>
        %dma_start3A_760 = arith.constant 0 : i32
        %dma_start3A_761 = tpu.memref_slice %arg2[%dma_start3A_754, %add3A_739, %dma_start3A_760] : memref<4x2048x1024xf32, #tpu.memory_space<hbm>> -> memref<1x4x1024xf32, #tpu.memory_space<hbm>>
        %dma_start3A_762 = tpu.memref_squeeze %dma_start3A_761 : memref<1x4x1024xf32, #tpu.memory_space<hbm>> -> memref<4x1024xf32, #tpu.memory_space<hbm>>
        %dma_start3A_763 = tpu.memref_slice %arg7[%rem3A_736] : memref<6x!tpu.dma_semaphore, #tpu.memory_space<semaphore_mem>> -> memref<1x!tpu.dma_semaphore, #tpu.memory_space<semaphore_mem>>
        %dma_start3A_764 = tpu.memref_squeeze %dma_start3A_763 : memref<1x!tpu.dma_semaphore, #tpu.memory_space<semaphore_mem>> -> memref<!tpu.dma_semaphore, #tpu.memory_space<semaphore_mem>>
        %dma_start3A_765 = arith.constant 0 : i32
        %dma_start3A_766 = arith.constant 0 : i32
        %dma_start3A_767 = tpu.memref_slice %arg6[%rem3A_736, %dma_start3A_755, %dma_start3A_765, %dma_start3A_766] : memref<6x4x4x1024xf32, #tpu.memory_space<vmem>> -> memref<1x1x4x1024xf32, #tpu.memory_space<vmem>>
        %dma_start3A_768 = tpu.memref_squeeze %dma_start3A_767 : memref<1x1x4x1024xf32, #tpu.memory_space<vmem>> -> memref<4x1024xf32, #tpu.memory_space<vmem>>
        %dma_start3A_769 = arith.constant 0 : i32
        %dma_start3A_770 = tpu.memref_slice %arg2[%dma_start3A_754, %add3A_739, %dma_start3A_769] : memref<4x2048x1024xf32, #tpu.memory_space<hbm>> -> memref<1x4x1024xf32, #tpu.memory_space<hbm>>
        %dma_start3A_771 = tpu.memref_squeeze %dma_start3A_770 : memref<1x4x1024xf32, #tpu.memory_space<hbm>> -> memref<4x1024xf32, #tpu.memory_space<hbm>>
        tpu.enqueue_dma source(%dma_start3A_771 : memref<4x1024xf32, #tpu.memory_space<hbm>>) target(%dma_start3A_768 : memref<4x1024xf32, #tpu.memory_space<vmem>>) target_semaphore(%dma_start3A_764 : memref<!tpu.dma_semaphore, #tpu.memory_space<semaphore_mem>>)
        %dma_start3A_772 = arith.constant 1 : i32
        %dma_start3A_773 = arith.constant 1 : i32
        %dma_start3A_774 = arith.constant 0 : i32
        %dma_start3A_775 = arith.constant 0 : i32
        %dma_start3A_776 = tpu.memref_slice %arg6[%rem3A_736, %dma_start3A_773, %dma_start3A_774, %dma_start3A_775] : memref<6x4x4x1024xf32, #tpu.memory_space<vmem>> -> memref<1x1x4x1024xf32, #tpu.memory_space<vmem>>
        %dma_start3A_777 = tpu.memref_squeeze %dma_start3A_776 : memref<1x1x4x1024xf32, #tpu.memory_space<vmem>> -> memref<4x1024xf32, #tpu.memory_space<vmem>>
        %dma_start3A_778 = arith.constant 0 : i32
        %dma_start3A_779 = tpu.memref_slice %arg2[%dma_start3A_772, %add3A_739, %dma_start3A_778] : memref<4x2048x1024xf32, #tpu.memory_space<hbm>> -> memref<1x4x1024xf32, #tpu.memory_space<hbm>>
        %dma_start3A_780 = tpu.memref_squeeze %dma_start3A_779 : memref<1x4x1024xf32, #tpu.memory_space<hbm>> -> memref<4x1024xf32, #tpu.memory_space<hbm>>
        %dma_start3A_781 = tpu.memref_slice %arg7[%rem3A_736] : memref<6x!tpu.dma_semaphore, #tpu.memory_space<semaphore_mem>> -> memref<1x!tpu.dma_semaphore, #tpu.memory_space<semaphore_mem>>
        %dma_start3A_782 = tpu.memref_squeeze %dma_start3A_781 : memref<1x!tpu.dma_semaphore, #tpu.memory_space<semaphore_mem>> -> memref<!tpu.dma_semaphore, #tpu.memory_space<semaphore_mem>>
        %dma_start3A_783 = arith.constant 0 : i32
        %dma_start3A_784 = arith.constant 0 : i32
        %dma_start3A_785 = tpu.memref_slice %arg6[%rem3A_736, %dma_start3A_773, %dma_start3A_783, %dma_start3A_784] : memref<6x4x4x1024xf32, #tpu.memory_space<vmem>> -> memref<1x1x4x1024xf32, #tpu.memory_space<vmem>>
        %dma_start3A_786 = tpu.memref_squeeze %dma_start3A_785 : memref<1x1x4x1024xf32, #tpu.memory_space<vmem>> -> memref<4x1024xf32, #tpu.memory_space<vmem>>
        %dma_start3A_787 = arith.constant 0 : i32
        %dma_start3A_788 = tpu.memref_slice %arg2[%dma_start3A_772, %add3A_739, %dma_start3A_787] : memref<4x2048x1024xf32, #tpu.memory_space<hbm>> -> memref<1x4x1024xf32, #tpu.memory_space<hbm>>
        %dma_start3A_789 = tpu.memref_squeeze %dma_start3A_788 : memref<1x4x1024xf32, #tpu.memory_space<hbm>> -> memref<4x1024xf32, #tpu.memory_space<hbm>>
        tpu.enqueue_dma source(%dma_start3A_789 : memref<4x1024xf32, #tpu.memory_space<hbm>>) target(%dma_start3A_786 : memref<4x1024xf32, #tpu.memory_space<vmem>>) target_semaphore(%dma_start3A_782 : memref<!tpu.dma_semaphore, #tpu.memory_space<semaphore_mem>>)
        %dma_start3A_790 = arith.constant 2 : i32
        %dma_start3A_791 = arith.constant 2 : i32
        %dma_start3A_792 = arith.constant 0 : i32
        %dma_start3A_793 = arith.constant 0 : i32
        %dma_start3A_794 = tpu.memref_slice %arg6[%rem3A_736, %dma_start3A_791, %dma_start3A_792, %dma_start3A_793] : memref<6x4x4x1024xf32, #tpu.memory_space<vmem>> -> memref<1x1x4x1024xf32, #tpu.memory_space<vmem>>
        %dma_start3A_795 = tpu.memref_squeeze %dma_start3A_794 : memref<1x1x4x1024xf32, #tpu.memory_space<vmem>> -> memref<4x1024xf32, #tpu.memory_space<vmem>>
        %dma_start3A_796 = arith.constant 0 : i32
        %dma_start3A_797 = tpu.memref_slice %arg2[%dma_start3A_790, %add3A_739, %dma_start3A_796] : memref<4x2048x1024xf32, #tpu.memory_space<hbm>> -> memref<1x4x1024xf32, #tpu.memory_space<hbm>>
        %dma_start3A_798 = tpu.memref_squeeze %dma_start3A_797 : memref<1x4x1024xf32, #tpu.memory_space<hbm>> -> memref<4x1024xf32, #tpu.memory_space<hbm>>
        %dma_start3A_799 = tpu.memref_slice %arg7[%rem3A_736] : memref<6x!tpu.dma_semaphore, #tpu.memory_space<semaphore_mem>> -> memref<1x!tpu.dma_semaphore, #tpu.memory_space<semaphore_mem>>
        %dma_start3A_800 = tpu.memref_squeeze %dma_start3A_799 : memref<1x!tpu.dma_semaphore, #tpu.memory_space<semaphore_mem>> -> memref<!tpu.dma_semaphore, #tpu.memory_space<semaphore_mem>>
        %dma_start3A_801 = arith.constant 0 : i32
        %dma_start3A_802 = arith.constant 0 : i32
        %dma_start3A_803 = tpu.memref_slice %arg6[%rem3A_736, %dma_start3A_791, %dma_start3A_801, %dma_start3A_802] : memref<6x4x4x1024xf32, #tpu.memory_space<vmem>> -> memref<1x1x4x1024xf32, #tpu.memory_space<vmem>>
        %dma_start3A_804 = tpu.memref_squeeze %dma_start3A_803 : memref<1x1x4x1024xf32, #tpu.memory_space<vmem>> -> memref<4x1024xf32, #tpu.memory_space<vmem>>
        %dma_start3A_805 = arith.constant 0 : i32
        %dma_start3A_806 = tpu.memref_slice %arg2[%dma_start3A_790, %add3A_739, %dma_start3A_805] : memref<4x2048x1024xf32, #tpu.memory_space<hbm>> -> memref<1x4x1024xf32, #tpu.memory_space<hbm>>
        %dma_start3A_807 = tpu.memref_squeeze %dma_start3A_806 : memref<1x4x1024xf32, #tpu.memory_space<hbm>> -> memref<4x1024xf32, #tpu.memory_space<hbm>>
        tpu.enqueue_dma source(%dma_start3A_807 : memref<4x1024xf32, #tpu.memory_space<hbm>>) target(%dma_start3A_804 : memref<4x1024xf32, #tpu.memory_space<vmem>>) target_semaphore(%dma_start3A_800 : memref<!tpu.dma_semaphore, #tpu.memory_space<semaphore_mem>>)
        %dma_start3A_808 = arith.constant 3 : i32
        %dma_start3A_809 = arith.constant 3 : i32
        %dma_start3A_810 = arith.constant 0 : i32
        %dma_start3A_811 = arith.constant 0 : i32
        %dma_start3A_812 = tpu.memref_slice %arg6[%rem3A_736, %dma_start3A_809, %dma_start3A_810, %dma_start3A_811] : memref<6x4x4x1024xf32, #tpu.memory_space<vmem>> -> memref<1x1x4x1024xf32, #tpu.memory_space<vmem>>
        %dma_start3A_813 = tpu.memref_squeeze %dma_start3A_812 : memref<1x1x4x1024xf32, #tpu.memory_space<vmem>> -> memref<4x1024xf32, #tpu.memory_space<vmem>>
        %dma_start3A_814 = arith.constant 0 : i32
        %dma_start3A_815 = tpu.memref_slice %arg2[%dma_start3A_808, %add3A_739, %dma_start3A_814] : memref<4x2048x1024xf32, #tpu.memory_space<hbm>> -> memref<1x4x1024xf32, #tpu.memory_space<hbm>>
        %dma_start3A_816 = tpu.memref_squeeze %dma_start3A_815 : memref<1x4x1024xf32, #tpu.memory_space<hbm>> -> memref<4x1024xf32, #tpu.memory_space<hbm>>
        %dma_start3A_817 = tpu.memref_slice %arg7[%rem3A_736] : memref<6x!tpu.dma_semaphore, #tpu.memory_space<semaphore_mem>> -> memref<1x!tpu.dma_semaphore, #tpu.memory_space<semaphore_mem>>
        %dma_start3A_818 = tpu.memref_squeeze %dma_start3A_817 : memref<1x!tpu.dma_semaphore, #tpu.memory_space<semaphore_mem>> -> memref<!tpu.dma_semaphore, #tpu.memory_space<semaphore_mem>>
        %dma_start3A_819 = arith.constant 0 : i32
        %dma_start3A_820 = arith.constant 0 : i32
        %dma_start3A_821 = tpu.memref_slice %arg6[%rem3A_736, %dma_start3A_809, %dma_start3A_819, %dma_start3A_820] : memref<6x4x4x1024xf32, #tpu.memory_space<vmem>> -> memref<1x1x4x1024xf32, #tpu.memory_space<vmem>>
        %dma_start3A_822 = tpu.memref_squeeze %dma_start3A_821 : memref<1x1x4x1024xf32, #tpu.memory_space<vmem>> -> memref<4x1024xf32, #tpu.memory_space<vmem>>
        %dma_start3A_823 = arith.constant 0 : i32
        %dma_start3A_824 = tpu.memref_slice %arg2[%dma_start3A_808, %add3A_739, %dma_start3A_823] : memref<4x2048x1024xf32, #tpu.memory_space<hbm>> -> memref<1x4x1024xf32, #tpu.memory_space<hbm>>
        %dma_start3A_825 = tpu.memref_squeeze %dma_start3A_824 : memref<1x4x1024xf32, #tpu.memory_space<hbm>> -> memref<4x1024xf32, #tpu.memory_space<hbm>>
        tpu.enqueue_dma source(%dma_start3A_825 : memref<4x1024xf32, #tpu.memory_space<hbm>>) target(%dma_start3A_822 : memref<4x1024xf32, #tpu.memory_space<vmem>>) target_semaphore(%dma_start3A_818 : memref<!tpu.dma_semaphore, #tpu.memory_space<semaphore_mem>>)
      } else {
      }
      %rem3A_559 = arith.constant 6 : i32
      %rem3A_560 = arith.remsi %scan3A_549, %rem3A_559 : i32
      %mul3A_561 = arith.constant 4 : i32
      %mul3A_562 = arith.muli %scan3A_549, %mul3A_561 : i32
      %add3A_563 = arith.addi %mul3A_2, %mul3A_562 : i32
      %dma_wait3A_564 = arith.constant 0 : i32
      %dma_wait3A_565 = arith.constant 0 : i32
      %dma_wait3A_566 = tpu.memref_slice %arg5[%rem3A_560, %dma_wait3A_564, %dma_wait3A_565] : memref<6x4x1024xf32, #tpu.memory_space<vmem>> -> memref<1x4x1024xf32, #tpu.memory_space<vmem>>
      %dma_wait3A_567 = tpu.memref_squeeze %dma_wait3A_566 : memref<1x4x1024xf32, #tpu.memory_space<vmem>> -> memref<4x1024xf32, #tpu.memory_space<vmem>>
      %dma_wait3A_568 = arith.constant 0 : i32
      %dma_wait3A_569 = tpu.memref_slice %arg3[%add3A_563, %dma_wait3A_568] : memref<32000x1024xf32, #tpu.memory_space<hbm>> -> memref<4x1024xf32, #tpu.memory_space<hbm>>
      %dma_wait3A_570 = tpu.memref_slice %arg7[%rem3A_560] : memref<6x!tpu.dma_semaphore, #tpu.memory_space<semaphore_mem>> -> memref<1x!tpu.dma_semaphore, #tpu.memory_space<semaphore_mem>>
      %dma_wait3A_571 = tpu.memref_squeeze %dma_wait3A_570 : memref<1x!tpu.dma_semaphore, #tpu.memory_space<semaphore_mem>> -> memref<!tpu.dma_semaphore, #tpu.memory_space<semaphore_mem>>
      %dma_wait3A_572 = arith.constant 0 : i32
      %dma_wait3A_573 = arith.constant 0 : i32
      %dma_wait3A_574 = tpu.memref_slice %arg5[%rem3A_560, %dma_wait3A_572, %dma_wait3A_573] : memref<6x4x1024xf32, #tpu.memory_space<vmem>> -> memref<1x4x1024xf32, #tpu.memory_space<vmem>>
      %dma_wait3A_575 = tpu.memref_squeeze %dma_wait3A_574 : memref<1x4x1024xf32, #tpu.memory_space<vmem>> -> memref<4x1024xf32, #tpu.memory_space<vmem>>
      %dma_wait3A_576 = arith.constant 0 : i32
      %dma_wait3A_577 = tpu.memref_slice %arg3[%add3A_563, %dma_wait3A_576] : memref<32000x1024xf32, #tpu.memory_space<hbm>> -> memref<4x1024xf32, #tpu.memory_space<hbm>>
      tpu.wait_dma2 semaphore(%dma_wait3A_571 : memref<!tpu.dma_semaphore, #tpu.memory_space<semaphore_mem>>) src(%dma_wait3A_577 : memref<4x1024xf32, #tpu.memory_space<hbm>>) dst(%dma_wait3A_575 : memref<4x1024xf32, #tpu.memory_space<vmem>>)
      %dma_wait3A_578 = arith.constant 0 : i32
      %dma_wait3A_579 = arith.constant 0 : i32
      %dma_wait3A_580 = arith.constant 0 : i32
      %dma_wait3A_581 = arith.constant 0 : i32
      %dma_wait3A_582 = tpu.memref_slice %arg6[%rem3A_560, %dma_wait3A_579, %dma_wait3A_580, %dma_wait3A_581] : memref<6x4x4x1024xf32, #tpu.memory_space<vmem>> -> memref<1x1x4x1024xf32, #tpu.memory_space<vmem>>
      %dma_wait3A_583 = tpu.memref_squeeze %dma_wait3A_582 : memref<1x1x4x1024xf32, #tpu.memory_space<vmem>> -> memref<4x1024xf32, #tpu.memory_space<vmem>>
      %dma_wait3A_584 = arith.constant 0 : i32
      %dma_wait3A_585 = tpu.memref_slice %arg2[%dma_wait3A_578, %add3A_563, %dma_wait3A_584] : memref<4x2048x1024xf32, #tpu.memory_space<hbm>> -> memref<1x4x1024xf32, #tpu.memory_space<hbm>>
      %dma_wait3A_586 = tpu.memref_squeeze %dma_wait3A_585 : memref<1x4x1024xf32, #tpu.memory_space<hbm>> -> memref<4x1024xf32, #tpu.memory_space<hbm>>
      %dma_wait3A_587 = tpu.memref_slice %arg7[%rem3A_560] : memref<6x!tpu.dma_semaphore, #tpu.memory_space<semaphore_mem>> -> memref<1x!tpu.dma_semaphore, #tpu.memory_space<semaphore_mem>>
      %dma_wait3A_588 = tpu.memref_squeeze %dma_wait3A_587 : memref<1x!tpu.dma_semaphore, #tpu.memory_space<semaphore_mem>> -> memref<!tpu.dma_semaphore, #tpu.memory_space<semaphore_mem>>
      %dma_wait3A_589 = arith.constant 0 : i32
      %dma_wait3A_590 = arith.constant 0 : i32
      %dma_wait3A_591 = tpu.memref_slice %arg6[%rem3A_560, %dma_wait3A_579, %dma_wait3A_589, %dma_wait3A_590] : memref<6x4x4x1024xf32, #tpu.memory_space<vmem>> -> memref<1x1x4x1024xf32, #tpu.memory_space<vmem>>
      %dma_wait3A_592 = tpu.memref_squeeze %dma_wait3A_591 : memref<1x1x4x1024xf32, #tpu.memory_space<vmem>> -> memref<4x1024xf32, #tpu.memory_space<vmem>>
      %dma_wait3A_593 = arith.constant 0 : i32
      %dma_wait3A_594 = tpu.memref_slice %arg2[%dma_wait3A_578, %add3A_563, %dma_wait3A_593] : memref<4x2048x1024xf32, #tpu.memory_space<hbm>> -> memref<1x4x1024xf32, #tpu.memory_space<hbm>>
      %dma_wait3A_595 = tpu.memref_squeeze %dma_wait3A_594 : memref<1x4x1024xf32, #tpu.memory_space<hbm>> -> memref<4x1024xf32, #tpu.memory_space<hbm>>
      tpu.wait_dma2 semaphore(%dma_wait3A_588 : memref<!tpu.dma_semaphore, #tpu.memory_space<semaphore_mem>>) src(%dma_wait3A_595 : memref<4x1024xf32, #tpu.memory_space<hbm>>) dst(%dma_wait3A_592 : memref<4x1024xf32, #tpu.memory_space<vmem>>)
      %dma_wait3A_596 = arith.constant 1 : i32
      %dma_wait3A_597 = arith.constant 1 : i32
      %dma_wait3A_598 = arith.constant 0 : i32
      %dma_wait3A_599 = arith.constant 0 : i32
      %dma_wait3A_600 = tpu.memref_slice %arg6[%rem3A_560, %dma_wait3A_597, %dma_wait3A_598, %dma_wait3A_599] : memref<6x4x4x1024xf32, #tpu.memory_space<vmem>> -> memref<1x1x4x1024xf32, #tpu.memory_space<vmem>>
      %dma_wait3A_601 = tpu.memref_squeeze %dma_wait3A_600 : memref<1x1x4x1024xf32, #tpu.memory_space<vmem>> -> memref<4x1024xf32, #tpu.memory_space<vmem>>
      %dma_wait3A_602 = arith.constant 0 : i32
      %dma_wait3A_603 = tpu.memref_slice %arg2[%dma_wait3A_596, %add3A_563, %dma_wait3A_602] : memref<4x2048x1024xf32, #tpu.memory_space<hbm>> -> memref<1x4x1024xf32, #tpu.memory_space<hbm>>
      %dma_wait3A_604 = tpu.memref_squeeze %dma_wait3A_603 : memref<1x4x1024xf32, #tpu.memory_space<hbm>> -> memref<4x1024xf32, #tpu.memory_space<hbm>>
      %dma_wait3A_605 = tpu.memref_slice %arg7[%rem3A_560] : memref<6x!tpu.dma_semaphore, #tpu.memory_space<semaphore_mem>> -> memref<1x!tpu.dma_semaphore, #tpu.memory_space<semaphore_mem>>
      %dma_wait3A_606 = tpu.memref_squeeze %dma_wait3A_605 : memref<1x!tpu.dma_semaphore, #tpu.memory_space<semaphore_mem>> -> memref<!tpu.dma_semaphore, #tpu.memory_space<semaphore_mem>>
      %dma_wait3A_607 = arith.constant 0 : i32
      %dma_wait3A_608 = arith.constant 0 : i32
      %dma_wait3A_609 = tpu.memref_slice %arg6[%rem3A_560, %dma_wait3A_597, %dma_wait3A_607, %dma_wait3A_608] : memref<6x4x4x1024xf32, #tpu.memory_space<vmem>> -> memref<1x1x4x1024xf32, #tpu.memory_space<vmem>>
      %dma_wait3A_610 = tpu.memref_squeeze %dma_wait3A_609 : memref<1x1x4x1024xf32, #tpu.memory_space<vmem>> -> memref<4x1024xf32, #tpu.memory_space<vmem>>
      %dma_wait3A_611 = arith.constant 0 : i32
      %dma_wait3A_612 = tpu.memref_slice %arg2[%dma_wait3A_596, %add3A_563, %dma_wait3A_611] : memref<4x2048x1024xf32, #tpu.memory_space<hbm>> -> memref<1x4x1024xf32, #tpu.memory_space<hbm>>
      %dma_wait3A_613 = tpu.memref_squeeze %dma_wait3A_612 : memref<1x4x1024xf32, #tpu.memory_space<hbm>> -> memref<4x1024xf32, #tpu.memory_space<hbm>>
      tpu.wait_dma2 semaphore(%dma_wait3A_606 : memref<!tpu.dma_semaphore, #tpu.memory_space<semaphore_mem>>) src(%dma_wait3A_613 : memref<4x1024xf32, #tpu.memory_space<hbm>>) dst(%dma_wait3A_610 : memref<4x1024xf32, #tpu.memory_space<vmem>>)
      %dma_wait3A_614 = arith.constant 2 : i32
      %dma_wait3A_615 = arith.constant 2 : i32
      %dma_wait3A_616 = arith.constant 0 : i32
      %dma_wait3A_617 = arith.constant 0 : i32
      %dma_wait3A_618 = tpu.memref_slice %arg6[%rem3A_560, %dma_wait3A_615, %dma_wait3A_616, %dma_wait3A_617] : memref<6x4x4x1024xf32, #tpu.memory_space<vmem>> -> memref<1x1x4x1024xf32, #tpu.memory_space<vmem>>
      %dma_wait3A_619 = tpu.memref_squeeze %dma_wait3A_618 : memref<1x1x4x1024xf32, #tpu.memory_space<vmem>> -> memref<4x1024xf32, #tpu.memory_space<vmem>>
      %dma_wait3A_620 = arith.constant 0 : i32
      %dma_wait3A_621 = tpu.memref_slice %arg2[%dma_wait3A_614, %add3A_563, %dma_wait3A_620] : memref<4x2048x1024xf32, #tpu.memory_space<hbm>> -> memref<1x4x1024xf32, #tpu.memory_space<hbm>>
      %dma_wait3A_622 = tpu.memref_squeeze %dma_wait3A_621 : memref<1x4x1024xf32, #tpu.memory_space<hbm>> -> memref<4x1024xf32, #tpu.memory_space<hbm>>
      %dma_wait3A_623 = tpu.memref_slice %arg7[%rem3A_560] : memref<6x!tpu.dma_semaphore, #tpu.memory_space<semaphore_mem>> -> memref<1x!tpu.dma_semaphore, #tpu.memory_space<semaphore_mem>>
      %dma_wait3A_624 = tpu.memref_squeeze %dma_wait3A_623 : memref<1x!tpu.dma_semaphore, #tpu.memory_space<semaphore_mem>> -> memref<!tpu.dma_semaphore, #tpu.memory_space<semaphore_mem>>
      %dma_wait3A_625 = arith.constant 0 : i32
      %dma_wait3A_626 = arith.constant 0 : i32
      %dma_wait3A_627 = tpu.memref_slice %arg6[%rem3A_560, %dma_wait3A_615, %dma_wait3A_625, %dma_wait3A_626] : memref<6x4x4x1024xf32, #tpu.memory_space<vmem>> -> memref<1x1x4x1024xf32, #tpu.memory_space<vmem>>
      %dma_wait3A_628 = tpu.memref_squeeze %dma_wait3A_627 : memref<1x1x4x1024xf32, #tpu.memory_space<vmem>> -> memref<4x1024xf32, #tpu.memory_space<vmem>>
      %dma_wait3A_629 = arith.constant 0 : i32
      %dma_wait3A_630 = tpu.memref_slice %arg2[%dma_wait3A_614, %add3A_563, %dma_wait3A_629] : memref<4x2048x1024xf32, #tpu.memory_space<hbm>> -> memref<1x4x1024xf32, #tpu.memory_space<hbm>>
      %dma_wait3A_631 = tpu.memref_squeeze %dma_wait3A_630 : memref<1x4x1024xf32, #tpu.memory_space<hbm>> -> memref<4x1024xf32, #tpu.memory_space<hbm>>
      tpu.wait_dma2 semaphore(%dma_wait3A_624 : memref<!tpu.dma_semaphore, #tpu.memory_space<semaphore_mem>>) src(%dma_wait3A_631 : memref<4x1024xf32, #tpu.memory_space<hbm>>) dst(%dma_wait3A_628 : memref<4x1024xf32, #tpu.memory_space<vmem>>)
      %dma_wait3A_632 = arith.constant 3 : i32
      %dma_wait3A_633 = arith.constant 3 : i32
      %dma_wait3A_634 = arith.constant 0 : i32
      %dma_wait3A_635 = arith.constant 0 : i32
      %dma_wait3A_636 = tpu.memref_slice %arg6[%rem3A_560, %dma_wait3A_633, %dma_wait3A_634, %dma_wait3A_635] : memref<6x4x4x1024xf32, #tpu.memory_space<vmem>> -> memref<1x1x4x1024xf32, #tpu.memory_space<vmem>>
      %dma_wait3A_637 = tpu.memref_squeeze %dma_wait3A_636 : memref<1x1x4x1024xf32, #tpu.memory_space<vmem>> -> memref<4x1024xf32, #tpu.memory_space<vmem>>
      %dma_wait3A_638 = arith.constant 0 : i32
      %dma_wait3A_639 = tpu.memref_slice %arg2[%dma_wait3A_632, %add3A_563, %dma_wait3A_638] : memref<4x2048x1024xf32, #tpu.memory_space<hbm>> -> memref<1x4x1024xf32, #tpu.memory_space<hbm>>
      %dma_wait3A_640 = tpu.memref_squeeze %dma_wait3A_639 : memref<1x4x1024xf32, #tpu.memory_space<hbm>> -> memref<4x1024xf32, #tpu.memory_space<hbm>>
      %dma_wait3A_641 = tpu.memref_slice %arg7[%rem3A_560] : memref<6x!tpu.dma_semaphore, #tpu.memory_space<semaphore_mem>> -> memref<1x!tpu.dma_semaphore, #tpu.memory_space<semaphore_mem>>
      %dma_wait3A_642 = tpu.memref_squeeze %dma_wait3A_641 : memref<1x!tpu.dma_semaphore, #tpu.memory_space<semaphore_mem>> -> memref<!tpu.dma_semaphore, #tpu.memory_space<semaphore_mem>>
      %dma_wait3A_643 = arith.constant 0 : i32
      %dma_wait3A_644 = arith.constant 0 : i32
      %dma_wait3A_645 = tpu.memref_slice %arg6[%rem3A_560, %dma_wait3A_633, %dma_wait3A_643, %dma_wait3A_644] : memref<6x4x4x1024xf32, #tpu.memory_space<vmem>> -> memref<1x1x4x1024xf32, #tpu.memory_space<vmem>>
      %dma_wait3A_646 = tpu.memref_squeeze %dma_wait3A_645 : memref<1x1x4x1024xf32, #tpu.memory_space<vmem>> -> memref<4x1024xf32, #tpu.memory_space<vmem>>
      %dma_wait3A_647 = arith.constant 0 : i32
      %dma_wait3A_648 = tpu.memref_slice %arg2[%dma_wait3A_632, %add3A_563, %dma_wait3A_647] : memref<4x2048x1024xf32, #tpu.memory_space<hbm>> -> memref<1x4x1024xf32, #tpu.memory_space<hbm>>
      %dma_wait3A_649 = tpu.memref_squeeze %dma_wait3A_648 : memref<1x4x1024xf32, #tpu.memory_space<hbm>> -> memref<4x1024xf32, #tpu.memory_space<hbm>>
      tpu.wait_dma2 semaphore(%dma_wait3A_642 : memref<!tpu.dma_semaphore, #tpu.memory_space<semaphore_mem>>) src(%dma_wait3A_649 : memref<4x1024xf32, #tpu.memory_space<hbm>>) dst(%dma_wait3A_646 : memref<4x1024xf32, #tpu.memory_space<vmem>>)
      %rem3A_650 = arith.constant 6 : i32
      %rem3A_651 = arith.remsi %scan3A_549, %rem3A_650 : i32
      %parallel_loop3A = arith.constant 0 : i32
      %parallel_loop3A_652 = arith.constant 256 : i32
      %parallel_loop3A_653 = arith.constant 1 : i32
      scf.for %parallel_loop3A_731 = %parallel_loop3A to %parallel_loop3A_652 step %parallel_loop3A_653  : i32 {
        %parallel_loop3A_732 = arith.constant 6 : i32
        %parallel_loop3A_733 = arith.shrsi %parallel_loop3A_731, %parallel_loop3A_732 : i32
        %parallel_loop3A_734 = arith.constant 63 : i32
        %parallel_loop3A_735 = arith.andi %parallel_loop3A_731, %parallel_loop3A_734 : i32
        %parallel_loop3A_736 = arith.constant 16 : i32
        %parallel_loop3A_737 = arith.muli %parallel_loop3A_735, %parallel_loop3A_736 : i32
        %parallel_loop3A_738 = arith.index_cast %rem3A_651 : i32 to index
        %parallel_loop3A_739 = arith.index_cast %parallel_loop3A_733 : i32 to index
        %parallel_loop3A_740 = arith.index_cast %parallel_loop3A_737 : i32 to index
        %parallel_loop3A_741 = tpu.vector_load %arg5[%parallel_loop3A_738, %parallel_loop3A_739, %parallel_loop3A_740] {strides = array<i32>} : memref<6x4x1024xf32, #tpu.memory_space<vmem>>, vector<1x1x16xf32>,
        %parallel_loop3A_742 = vector.shape_cast %parallel_loop3A_741 : vector<1x1x16xf32> to vector<16xf32>
        %parallel_loop3A_743 = arith.constant 3.200000e+01 : f32
        %parallel_loop3A_744 = vector.broadcast %parallel_loop3A_743 : f32 to vector<16xf32>
        %parallel_loop3A_745 = arith.mulf %parallel_loop3A_742, %parallel_loop3A_744 : vector<16xf32>
        %parallel_loop3A_746 = arith.constant 0 : i32
        %parallel_loop3A_747 = arith.index_cast %rem3A_651 : i32 to index
        %parallel_loop3A_748 = arith.index_cast %parallel_loop3A_746 : i32 to index
        %parallel_loop3A_749 = arith.index_cast %parallel_loop3A_733 : i32 to index
        %parallel_loop3A_750 = arith.index_cast %parallel_loop3A_737 : i32 to index
        %parallel_loop3A_751 = tpu.vector_load %arg6[%parallel_loop3A_747, %parallel_loop3A_748, %parallel_loop3A_749, %parallel_loop3A_750] {strides = array<i32>} : memref<6x4x4x1024xf32, #tpu.memory_space<vmem>>, vector<1x1x1x16xf32>,
        %parallel_loop3A_752 = vector.shape_cast %parallel_loop3A_751 : vector<1x1x1x16xf32> to vector<16xf32>
        %parallel_loop3A_753 = arith.addf %parallel_loop3A_752, %parallel_loop3A_745 : vector<16xf32>
        %parallel_loop3A_754 = arith.constant 0 : i32
        %parallel_loop3A_755 = arith.index_cast %rem3A_651 : i32 to index
        %parallel_loop3A_756 = arith.index_cast %parallel_loop3A_754 : i32 to index
        %parallel_loop3A_757 = arith.index_cast %parallel_loop3A_733 : i32 to index
        %parallel_loop3A_758 = arith.index_cast %parallel_loop3A_737 : i32 to index
        %parallel_loop3A_759 = tpu.vector_load %arg6[%parallel_loop3A_755, %parallel_loop3A_756, %parallel_loop3A_757, %parallel_loop3A_758] {strides = array<i32>} : memref<6x4x4x1024xf32, #tpu.memory_space<vmem>>, vector<1x1x1x16xf32>,
        %parallel_loop3A_760 = vector.shape_cast %parallel_loop3A_759 : vector<1x1x1x16xf32> to vector<16xf32>
        %parallel_loop3A_761 = vector.shape_cast %parallel_loop3A_753 : vector<16xf32> to vector<1x1x1x16xf32>
        tpu.vector_store %arg6[%parallel_loop3A_755, %parallel_loop3A_756, %parallel_loop3A_757, %parallel_loop3A_758], %parallel_loop3A_761 {strides = array<i32>} : memref<6x4x4x1024xf32, #tpu.memory_space<vmem>>, vector<1x1x1x16xf32>,
        %parallel_loop3A_762 = arith.constant 1 : i32
        %parallel_loop3A_763 = arith.index_cast %rem3A_651 : i32 to index
        %parallel_loop3A_764 = arith.index_cast %parallel_loop3A_762 : i32 to index
        %parallel_loop3A_765 = arith.index_cast %parallel_loop3A_733 : i32 to index
        %parallel_loop3A_766 = arith.index_cast %parallel_loop3A_737 : i32 to index
        %parallel_loop3A_767 = tpu.vector_load %arg6[%parallel_loop3A_763, %parallel_loop3A_764, %parallel_loop3A_765, %parallel_loop3A_766] {strides = array<i32>} : memref<6x4x4x1024xf32, #tpu.memory_space<vmem>>, vector<1x1x1x16xf32>,
        %parallel_loop3A_768 = vector.shape_cast %parallel_loop3A_767 : vector<1x1x1x16xf32> to vector<16xf32>
        %parallel_loop3A_769 = arith.addf %parallel_loop3A_768, %parallel_loop3A_745 : vector<16xf32>
        %parallel_loop3A_770 = arith.constant 1 : i32
        %parallel_loop3A_771 = arith.index_cast %rem3A_651 : i32 to index
        %parallel_loop3A_772 = arith.index_cast %parallel_loop3A_770 : i32 to index
        %parallel_loop3A_773 = arith.index_cast %parallel_loop3A_733 : i32 to index
        %parallel_loop3A_774 = arith.index_cast %parallel_loop3A_737 : i32 to index
        %parallel_loop3A_775 = tpu.vector_load %arg6[%parallel_loop3A_771, %parallel_loop3A_772, %parallel_loop3A_773, %parallel_loop3A_774] {strides = array<i32>} : memref<6x4x4x1024xf32, #tpu.memory_space<vmem>>, vector<1x1x1x16xf32>,
        %parallel_loop3A_776 = vector.shape_cast %parallel_loop3A_775 : vector<1x1x1x16xf32> to vector<16xf32>
        %parallel_loop3A_777 = vector.shape_cast %parallel_loop3A_769 : vector<16xf32> to vector<1x1x1x16xf32>
        tpu.vector_store %arg6[%parallel_loop3A_771, %parallel_loop3A_772, %parallel_loop3A_773, %parallel_loop3A_774], %parallel_loop3A_777 {strides = array<i32>} : memref<6x4x4x1024xf32, #tpu.memory_space<vmem>>, vector<1x1x1x16xf32>,
        %parallel_loop3A_778 = arith.constant 2 : i32
        %parallel_loop3A_779 = arith.index_cast %rem3A_651 : i32 to index
        %parallel_loop3A_780 = arith.index_cast %parallel_loop3A_778 : i32 to index
        %parallel_loop3A_781 = arith.index_cast %parallel_loop3A_733 : i32 to index
        %parallel_loop3A_782 = arith.index_cast %parallel_loop3A_737 : i32 to index
        %parallel_loop3A_783 = tpu.vector_load %arg6[%parallel_loop3A_779, %parallel_loop3A_780, %parallel_loop3A_781, %parallel_loop3A_782] {strides = array<i32>} : memref<6x4x4x1024xf32, #tpu.memory_space<vmem>>, vector<1x1x1x16xf32>,
        %parallel_loop3A_784 = vector.shape_cast %parallel_loop3A_783 : vector<1x1x1x16xf32> to vector<16xf32>
        %parallel_loop3A_785 = arith.addf %parallel_loop3A_784, %parallel_loop3A_745 : vector<16xf32>
        %parallel_loop3A_786 = arith.constant 2 : i32
        %parallel_loop3A_787 = arith.index_cast %rem3A_651 : i32 to index
        %parallel_loop3A_788 = arith.index_cast %parallel_loop3A_786 : i32 to index
        %parallel_loop3A_789 = arith.index_cast %parallel_loop3A_733 : i32 to index
        %parallel_loop3A_790 = arith.index_cast %parallel_loop3A_737 : i32 to index
        %parallel_loop3A_791 = tpu.vector_load %arg6[%parallel_loop3A_787, %parallel_loop3A_788, %parallel_loop3A_789, %parallel_loop3A_790] {strides = array<i32>} : memref<6x4x4x1024xf32, #tpu.memory_space<vmem>>, vector<1x1x1x16xf32>,
        %parallel_loop3A_792 = vector.shape_cast %parallel_loop3A_791 : vector<1x1x1x16xf32> to vector<16xf32>
        %parallel_loop3A_793 = vector.shape_cast %parallel_loop3A_785 : vector<16xf32> to vector<1x1x1x16xf32>
        tpu.vector_store %arg6[%parallel_loop3A_787, %parallel_loop3A_788, %parallel_loop3A_789, %parallel_loop3A_790], %parallel_loop3A_793 {strides = array<i32>} : memref<6x4x4x1024xf32, #tpu.memory_space<vmem>>, vector<1x1x1x16xf32>,
        %parallel_loop3A_794 = arith.constant 3 : i32
        %parallel_loop3A_795 = arith.index_cast %rem3A_651 : i32 to index
        %parallel_loop3A_796 = arith.index_cast %parallel_loop3A_794 : i32 to index
        %parallel_loop3A_797 = arith.index_cast %parallel_loop3A_733 : i32 to index
        %parallel_loop3A_798 = arith.index_cast %parallel_loop3A_737 : i32 to index
        %parallel_loop3A_799 = tpu.vector_load %arg6[%parallel_loop3A_795, %parallel_loop3A_796, %parallel_loop3A_797, %parallel_loop3A_798] {strides = array<i32>} : memref<6x4x4x1024xf32, #tpu.memory_space<vmem>>, vector<1x1x1x16xf32>,
        %parallel_loop3A_800 = vector.shape_cast %parallel_loop3A_799 : vector<1x1x1x16xf32> to vector<16xf32>
        %parallel_loop3A_801 = arith.addf %parallel_loop3A_800, %parallel_loop3A_745 : vector<16xf32>
        %parallel_loop3A_802 = arith.constant 3 : i32
        %parallel_loop3A_803 = arith.index_cast %rem3A_651 : i32 to index
        %parallel_loop3A_804 = arith.index_cast %parallel_loop3A_802 : i32 to index
        %parallel_loop3A_805 = arith.index_cast %parallel_loop3A_733 : i32 to index
        %parallel_loop3A_806 = arith.index_cast %parallel_loop3A_737 : i32 to index
        %parallel_loop3A_807 = tpu.vector_load %arg6[%parallel_loop3A_803, %parallel_loop3A_804, %parallel_loop3A_805, %parallel_loop3A_806] {strides = array<i32>} : memref<6x4x4x1024xf32, #tpu.memory_space<vmem>>, vector<1x1x1x16xf32>,
        %parallel_loop3A_808 = vector.shape_cast %parallel_loop3A_807 : vector<1x1x1x16xf32> to vector<16xf32>
        %parallel_loop3A_809 = vector.shape_cast %parallel_loop3A_801 : vector<16xf32> to vector<1x1x1x16xf32>
        tpu.vector_store %arg6[%parallel_loop3A_803, %parallel_loop3A_804, %parallel_loop3A_805, %parallel_loop3A_806], %parallel_loop3A_809 {strides = array<i32>} : memref<6x4x4x1024xf32, #tpu.memory_space<vmem>>, vector<1x1x1x16xf32>,
      } {sc.loop_unroll_factor = 8 : i64, sc.parallel_access}
      %rem3A_654 = arith.constant 6 : i32
      %rem3A_655 = arith.remsi %scan3A_549, %rem3A_654 : i32
      %mul3A_656 = arith.constant 4 : i32
      %mul3A_657 = arith.muli %scan3A_549, %mul3A_656 : i32
      %add3A_658 = arith.addi %mul3A_2, %mul3A_657 : i32
      %dma_start3A_659 = arith.constant 0 : i32
      %dma_start3A_660 = arith.constant 0 : i32
      %dma_start3A_661 = arith.constant 0 : i32
      %dma_start3A_662 = arith.constant 0 : i32
      %dma_start3A_663 = tpu.memref_slice %arg6[%rem3A_655, %dma_start3A_659, %dma_start3A_661, %dma_start3A_662] : memref<6x4x4x1024xf32, #tpu.memory_space<vmem>> -> memref<1x1x4x1024xf32, #tpu.memory_space<vmem>>
      %dma_start3A_664 = tpu.memref_squeeze %dma_start3A_663 : memref<1x1x4x1024xf32, #tpu.memory_space<vmem>> -> memref<4x1024xf32, #tpu.memory_space<vmem>>
      %dma_start3A_665 = arith.constant 0 : i32
      %dma_start3A_666 = tpu.memref_slice %arg4[%dma_start3A_660, %add3A_658, %dma_start3A_665] : memref<4x2048x1024xf32, #tpu.memory_space<hbm>> -> memref<1x4x1024xf32, #tpu.memory_space<hbm>>
      %dma_start3A_667 = tpu.memref_squeeze %dma_start3A_666 : memref<1x4x1024xf32, #tpu.memory_space<hbm>> -> memref<4x1024xf32, #tpu.memory_space<hbm>>
      %dma_start3A_668 = tpu.memref_slice %arg8[%rem3A_655] : memref<6x!tpu.dma_semaphore, #tpu.memory_space<semaphore_mem>> -> memref<1x!tpu.dma_semaphore, #tpu.memory_space<semaphore_mem>>
      %dma_start3A_669 = tpu.memref_squeeze %dma_start3A_668 : memref<1x!tpu.dma_semaphore, #tpu.memory_space<semaphore_mem>> -> memref<!tpu.dma_semaphore, #tpu.memory_space<semaphore_mem>>
      %dma_start3A_670 = arith.constant 0 : i32
      %dma_start3A_671 = tpu.memref_slice %arg4[%dma_start3A_660, %add3A_658, %dma_start3A_670] : memref<4x2048x1024xf32, #tpu.memory_space<hbm>> -> memref<1x4x1024xf32, #tpu.memory_space<hbm>>
      %dma_start3A_672 = tpu.memref_squeeze %dma_start3A_671 : memref<1x4x1024xf32, #tpu.memory_space<hbm>> -> memref<4x1024xf32, #tpu.memory_space<hbm>>
      %dma_start3A_673 = arith.constant 0 : i32
      %dma_start3A_674 = arith.constant 0 : i32
      %dma_start3A_675 = tpu.memref_slice %arg6[%rem3A_655, %dma_start3A_659, %dma_start3A_673, %dma_start3A_674] : memref<6x4x4x1024xf32, #tpu.memory_space<vmem>> -> memref<1x1x4x1024xf32, #tpu.memory_space<vmem>>
      %dma_start3A_676 = tpu.memref_squeeze %dma_start3A_675 : memref<1x1x4x1024xf32, #tpu.memory_space<vmem>> -> memref<4x1024xf32, #tpu.memory_space<vmem>>
      tpu.enqueue_dma source(%dma_start3A_676 : memref<4x1024xf32, #tpu.memory_space<vmem>>) target(%dma_start3A_672 : memref<4x1024xf32, #tpu.memory_space<hbm>>) target_semaphore(%dma_start3A_669 : memref<!tpu.dma_semaphore, #tpu.memory_space<semaphore_mem>>)
      %dma_start3A_677 = arith.constant 1 : i32
      %dma_start3A_678 = arith.constant 1 : i32
      %dma_start3A_679 = arith.constant 0 : i32
      %dma_start3A_680 = arith.constant 0 : i32
      %dma_start3A_681 = tpu.memref_slice %arg6[%rem3A_655, %dma_start3A_677, %dma_start3A_679, %dma_start3A_680] : memref<6x4x4x1024xf32, #tpu.memory_space<vmem>> -> memref<1x1x4x1024xf32, #tpu.memory_space<vmem>>
      %dma_start3A_682 = tpu.memref_squeeze %dma_start3A_681 : memref<1x1x4x1024xf32, #tpu.memory_space<vmem>> -> memref<4x1024xf32, #tpu.memory_space<vmem>>
      %dma_start3A_683 = arith.constant 0 : i32
      %dma_start3A_684 = tpu.memref_slice %arg4[%dma_start3A_678, %add3A_658, %dma_start3A_683] : memref<4x2048x1024xf32, #tpu.memory_space<hbm>> -> memref<1x4x1024xf32, #tpu.memory_space<hbm>>
      %dma_start3A_685 = tpu.memref_squeeze %dma_start3A_684 : memref<1x4x1024xf32, #tpu.memory_space<hbm>> -> memref<4x1024xf32, #tpu.memory_space<hbm>>
      %dma_start3A_686 = tpu.memref_slice %arg8[%rem3A_655] : memref<6x!tpu.dma_semaphore, #tpu.memory_space<semaphore_mem>> -> memref<1x!tpu.dma_semaphore, #tpu.memory_space<semaphore_mem>>
      %dma_start3A_687 = tpu.memref_squeeze %dma_start3A_686 : memref<1x!tpu.dma_semaphore, #tpu.memory_space<semaphore_mem>> -> memref<!tpu.dma_semaphore, #tpu.memory_space<semaphore_mem>>
      %dma_start3A_688 = arith.constant 0 : i32
      %dma_start3A_689 = tpu.memref_slice %arg4[%dma_start3A_678, %add3A_658, %dma_start3A_688] : memref<4x2048x1024xf32, #tpu.memory_space<hbm>> -> memref<1x4x1024xf32, #tpu.memory_space<hbm>>
      %dma_start3A_690 = tpu.memref_squeeze %dma_start3A_689 : memref<1x4x1024xf32, #tpu.memory_space<hbm>> -> memref<4x1024xf32, #tpu.memory_space<hbm>>
      %dma_start3A_691 = arith.constant 0 : i32
      %dma_start3A_692 = arith.constant 0 : i32
      %dma_start3A_693 = tpu.memref_slice %arg6[%rem3A_655, %dma_start3A_677, %dma_start3A_691, %dma_start3A_692] : memref<6x4x4x1024xf32, #tpu.memory_space<vmem>> -> memref<1x1x4x1024xf32, #tpu.memory_space<vmem>>
      %dma_start3A_694 = tpu.memref_squeeze %dma_start3A_693 : memref<1x1x4x1024xf32, #tpu.memory_space<vmem>> -> memref<4x1024xf32, #tpu.memory_space<vmem>>
      tpu.enqueue_dma source(%dma_start3A_694 : memref<4x1024xf32, #tpu.memory_space<vmem>>) target(%dma_start3A_690 : memref<4x1024xf32, #tpu.memory_space<hbm>>) target_semaphore(%dma_start3A_687 : memref<!tpu.dma_semaphore, #tpu.memory_space<semaphore_mem>>)
      %dma_start3A_695 = arith.constant 2 : i32
      %dma_start3A_696 = arith.constant 2 : i32
      %dma_start3A_697 = arith.constant 0 : i32
      %dma_start3A_698 = arith.constant 0 : i32
      %dma_start3A_699 = tpu.memref_slice %arg6[%rem3A_655, %dma_start3A_695, %dma_start3A_697, %dma_start3A_698] : memref<6x4x4x1024xf32, #tpu.memory_space<vmem>> -> memref<1x1x4x1024xf32, #tpu.memory_space<vmem>>
      %dma_start3A_700 = tpu.memref_squeeze %dma_start3A_699 : memref<1x1x4x1024xf32, #tpu.memory_space<vmem>> -> memref<4x1024xf32, #tpu.memory_space<vmem>>
      %dma_start3A_701 = arith.constant 0 : i32
      %dma_start3A_702 = tpu.memref_slice %arg4[%dma_start3A_696, %add3A_658, %dma_start3A_701] : memref<4x2048x1024xf32, #tpu.memory_space<hbm>> -> memref<1x4x1024xf32, #tpu.memory_space<hbm>>
      %dma_start3A_703 = tpu.memref_squeeze %dma_start3A_702 : memref<1x4x1024xf32, #tpu.memory_space<hbm>> -> memref<4x1024xf32, #tpu.memory_space<hbm>>
      %dma_start3A_704 = tpu.memref_slice %arg8[%rem3A_655] : memref<6x!tpu.dma_semaphore, #tpu.memory_space<semaphore_mem>> -> memref<1x!tpu.dma_semaphore, #tpu.memory_space<semaphore_mem>>
      %dma_start3A_705 = tpu.memref_squeeze %dma_start3A_704 : memref<1x!tpu.dma_semaphore, #tpu.memory_space<semaphore_mem>> -> memref<!tpu.dma_semaphore, #tpu.memory_space<semaphore_mem>>
      %dma_start3A_706 = arith.constant 0 : i32
      %dma_start3A_707 = tpu.memref_slice %arg4[%dma_start3A_696, %add3A_658, %dma_start3A_706] : memref<4x2048x1024xf32, #tpu.memory_space<hbm>> -> memref<1x4x1024xf32, #tpu.memory_space<hbm>>
      %dma_start3A_708 = tpu.memref_squeeze %dma_start3A_707 : memref<1x4x1024xf32, #tpu.memory_space<hbm>> -> memref<4x1024xf32, #tpu.memory_space<hbm>>
      %dma_start3A_709 = arith.constant 0 : i32
      %dma_start3A_710 = arith.constant 0 : i32
      %dma_start3A_711 = tpu.memref_slice %arg6[%rem3A_655, %dma_start3A_695, %dma_start3A_709, %dma_start3A_710] : memref<6x4x4x1024xf32, #tpu.memory_space<vmem>> -> memref<1x1x4x1024xf32, #tpu.memory_space<vmem>>
      %dma_start3A_712 = tpu.memref_squeeze %dma_start3A_711 : memref<1x1x4x1024xf32, #tpu.memory_space<vmem>> -> memref<4x1024xf32, #tpu.memory_space<vmem>>
      tpu.enqueue_dma source(%dma_start3A_712 : memref<4x1024xf32, #tpu.memory_space<vmem>>) target(%dma_start3A_708 : memref<4x1024xf32, #tpu.memory_space<hbm>>) target_semaphore(%dma_start3A_705 : memref<!tpu.dma_semaphore, #tpu.memory_space<semaphore_mem>>)
      %dma_start3A_713 = arith.constant 3 : i32
      %dma_start3A_714 = arith.constant 3 : i32
      %dma_start3A_715 = arith.constant 0 : i32
      %dma_start3A_716 = arith.constant 0 : i32
      %dma_start3A_717 = tpu.memref_slice %arg6[%rem3A_655, %dma_start3A_713, %dma_start3A_715, %dma_start3A_716] : memref<6x4x4x1024xf32, #tpu.memory_space<vmem>> -> memref<1x1x4x1024xf32, #tpu.memory_space<vmem>>
      %dma_start3A_718 = tpu.memref_squeeze %dma_start3A_717 : memref<1x1x4x1024xf32, #tpu.memory_space<vmem>> -> memref<4x1024xf32, #tpu.memory_space<vmem>>
      %dma_start3A_719 = arith.constant 0 : i32
      %dma_start3A_720 = tpu.memref_slice %arg4[%dma_start3A_714, %add3A_658, %dma_start3A_719] : memref<4x2048x1024xf32, #tpu.memory_space<hbm>> -> memref<1x4x1024xf32, #tpu.memory_space<hbm>>
      %dma_start3A_721 = tpu.memref_squeeze %dma_start3A_720 : memref<1x4x1024xf32, #tpu.memory_space<hbm>> -> memref<4x1024xf32, #tpu.memory_space<hbm>>
      %dma_start3A_722 = tpu.memref_slice %arg8[%rem3A_655] : memref<6x!tpu.dma_semaphore, #tpu.memory_space<semaphore_mem>> -> memref<1x!tpu.dma_semaphore, #tpu.memory_space<semaphore_mem>>
      %dma_start3A_723 = tpu.memref_squeeze %dma_start3A_722 : memref<1x!tpu.dma_semaphore, #tpu.memory_space<semaphore_mem>> -> memref<!tpu.dma_semaphore, #tpu.memory_space<semaphore_mem>>
      %dma_start3A_724 = arith.constant 0 : i32
      %dma_start3A_725 = tpu.memref_slice %arg4[%dma_start3A_714, %add3A_658, %dma_start3A_724] : memref<4x2048x1024xf32, #tpu.memory_space<hbm>> -> memref<1x4x1024xf32, #tpu.memory_space<hbm>>
      %dma_start3A_726 = tpu.memref_squeeze %dma_start3A_725 : memref<1x4x1024xf32, #tpu.memory_space<hbm>> -> memref<4x1024xf32, #tpu.memory_space<hbm>>
      %dma_start3A_727 = arith.constant 0 : i32
      %dma_start3A_728 = arith.constant 0 : i32
      %dma_start3A_729 = tpu.memref_slice %arg6[%rem3A_655, %dma_start3A_713, %dma_start3A_727, %dma_start3A_728] : memref<6x4x4x1024xf32, #tpu.memory_space<vmem>> -> memref<1x1x4x1024xf32, #tpu.memory_space<vmem>>
      %dma_start3A_730 = tpu.memref_squeeze %dma_start3A_729 : memref<1x1x4x1024xf32, #tpu.memory_space<vmem>> -> memref<4x1024xf32, #tpu.memory_space<vmem>>
      tpu.enqueue_dma source(%dma_start3A_730 : memref<4x1024xf32, #tpu.memory_space<vmem>>) target(%dma_start3A_726 : memref<4x1024xf32, #tpu.memory_space<hbm>>) target_semaphore(%dma_start3A_723 : memref<!tpu.dma_semaphore, #tpu.memory_space<semaphore_mem>>)
    }
    %scan3A_470 = arith.constant 16 : i32
    %rem3A_471 = arith.constant 15 : i32
    %rem3A_472 = arith.constant 6 : i32
    %rem3A_473 = arith.remsi %rem3A_471, %rem3A_472 : i32
    %mul3A_474 = arith.constant 15 : i32
    %mul3A_475 = arith.constant 4 : i32
    %mul3A_476 = arith.muli %mul3A_474, %mul3A_475 : i32
    %add3A_477 = arith.addi %mul3A_2, %mul3A_476 : i32
    %dma_wait3A = arith.constant 0 : i32
    %dma_wait3A_478 = arith.constant 0 : i32
    %dma_wait3A_479 = arith.constant 0 : i32
    %dma_wait3A_480 = arith.constant 0 : i32
    %dma_wait3A_481 = tpu.memref_slice %arg6[%rem3A_473, %dma_wait3A, %dma_wait3A_479, %dma_wait3A_480] : memref<6x4x4x1024xf32, #tpu.memory_space<vmem>> -> memref<1x1x4x1024xf32, #tpu.memory_space<vmem>>
    %dma_wait3A_482 = tpu.memref_squeeze %dma_wait3A_481 : memref<1x1x4x1024xf32, #tpu.memory_space<vmem>> -> memref<4x1024xf32, #tpu.memory_space<vmem>>
    %dma_wait3A_483 = arith.constant 0 : i32
    %dma_wait3A_484 = tpu.memref_slice %arg4[%dma_wait3A_478, %add3A_477, %dma_wait3A_483] : memref<4x2048x1024xf32, #tpu.memory_space<hbm>> -> memref<1x4x1024xf32, #tpu.memory_space<hbm>>
    %dma_wait3A_485 = tpu.memref_squeeze %dma_wait3A_484 : memref<1x4x1024xf32, #tpu.memory_space<hbm>> -> memref<4x1024xf32, #tpu.memory_space<hbm>>
    %dma_wait3A_486 = tpu.memref_slice %arg8[%rem3A_473] : memref<6x!tpu.dma_semaphore, #tpu.memory_space<semaphore_mem>> -> memref<1x!tpu.dma_semaphore, #tpu.memory_space<semaphore_mem>>
    %dma_wait3A_487 = tpu.memref_squeeze %dma_wait3A_486 : memref<1x!tpu.dma_semaphore, #tpu.memory_space<semaphore_mem>> -> memref<!tpu.dma_semaphore, #tpu.memory_space<semaphore_mem>>
    %dma_wait3A_488 = arith.constant 0 : i32
    %dma_wait3A_489 = tpu.memref_slice %arg4[%dma_wait3A_478, %add3A_477, %dma_wait3A_488] : memref<4x2048x1024xf32, #tpu.memory_space<hbm>> -> memref<1x4x1024xf32, #tpu.memory_space<hbm>>
    %dma_wait3A_490 = tpu.memref_squeeze %dma_wait3A_489 : memref<1x4x1024xf32, #tpu.memory_space<hbm>> -> memref<4x1024xf32, #tpu.memory_space<hbm>>
    %dma_wait3A_491 = arith.constant 0 : i32
    %dma_wait3A_492 = arith.constant 0 : i32
    %dma_wait3A_493 = tpu.memref_slice %arg6[%rem3A_473, %dma_wait3A, %dma_wait3A_491, %dma_wait3A_492] : memref<6x4x4x1024xf32, #tpu.memory_space<vmem>> -> memref<1x1x4x1024xf32, #tpu.memory_space<vmem>>
    %dma_wait3A_494 = tpu.memref_squeeze %dma_wait3A_493 : memref<1x1x4x1024xf32, #tpu.memory_space<vmem>> -> memref<4x1024xf32, #tpu.memory_space<vmem>>
    tpu.wait_dma2 semaphore(%dma_wait3A_487 : memref<!tpu.dma_semaphore, #tpu.memory_space<semaphore_mem>>) src(%dma_wait3A_494 : memref<4x1024xf32, #tpu.memory_space<vmem>>) dst(%dma_wait3A_490 : memref<4x1024xf32, #tpu.memory_space<hbm>>)
    %dma_wait3A_495 = arith.constant 1 : i32
    %dma_wait3A_496 = arith.constant 1 : i32
    %dma_wait3A_497 = arith.constant 0 : i32
    %dma_wait3A_498 = arith.constant 0 : i32
    %dma_wait3A_499 = tpu.memref_slice %arg6[%rem3A_473, %dma_wait3A_495, %dma_wait3A_497, %dma_wait3A_498] : memref<6x4x4x1024xf32, #tpu.memory_space<vmem>> -> memref<1x1x4x1024xf32, #tpu.memory_space<vmem>>
    %dma_wait3A_500 = tpu.memref_squeeze %dma_wait3A_499 : memref<1x1x4x1024xf32, #tpu.memory_space<vmem>> -> memref<4x1024xf32, #tpu.memory_space<vmem>>
    %dma_wait3A_501 = arith.constant 0 : i32
    %dma_wait3A_502 = tpu.memref_slice %arg4[%dma_wait3A_496, %add3A_477, %dma_wait3A_501] : memref<4x2048x1024xf32, #tpu.memory_space<hbm>> -> memref<1x4x1024xf32, #tpu.memory_space<hbm>>
    %dma_wait3A_503 = tpu.memref_squeeze %dma_wait3A_502 : memref<1x4x1024xf32, #tpu.memory_space<hbm>> -> memref<4x1024xf32, #tpu.memory_space<hbm>>
    %dma_wait3A_504 = tpu.memref_slice %arg8[%rem3A_473] : memref<6x!tpu.dma_semaphore, #tpu.memory_space<semaphore_mem>> -> memref<1x!tpu.dma_semaphore, #tpu.memory_space<semaphore_mem>>
    %dma_wait3A_505 = tpu.memref_squeeze %dma_wait3A_504 : memref<1x!tpu.dma_semaphore, #tpu.memory_space<semaphore_mem>> -> memref<!tpu.dma_semaphore, #tpu.memory_space<semaphore_mem>>
    %dma_wait3A_506 = arith.constant 0 : i32
    %dma_wait3A_507 = tpu.memref_slice %arg4[%dma_wait3A_496, %add3A_477, %dma_wait3A_506] : memref<4x2048x1024xf32, #tpu.memory_space<hbm>> -> memref<1x4x1024xf32, #tpu.memory_space<hbm>>
    %dma_wait3A_508 = tpu.memref_squeeze %dma_wait3A_507 : memref<1x4x1024xf32, #tpu.memory_space<hbm>> -> memref<4x1024xf32, #tpu.memory_space<hbm>>
    %dma_wait3A_509 = arith.constant 0 : i32
    %dma_wait3A_510 = arith.constant 0 : i32
    %dma_wait3A_511 = tpu.memref_slice %arg6[%rem3A_473, %dma_wait3A_495, %dma_wait3A_509, %dma_wait3A_510] : memref<6x4x4x1024xf32, #tpu.memory_space<vmem>> -> memref<1x1x4x1024xf32, #tpu.memory_space<vmem>>
    %dma_wait3A_512 = tpu.memref_squeeze %dma_wait3A_511 : memref<1x1x4x1024xf32, #tpu.memory_space<vmem>> -> memref<4x1024xf32, #tpu.memory_space<vmem>>
    tpu.wait_dma2 semaphore(%dma_wait3A_505 : memref<!tpu.dma_semaphore, #tpu.memory_space<semaphore_mem>>) src(%dma_wait3A_512 : memref<4x1024xf32, #tpu.memory_space<vmem>>) dst(%dma_wait3A_508 : memref<4x1024xf32, #tpu.memory_space<hbm>>)
    %dma_wait3A_513 = arith.constant 2 : i32
    %dma_wait3A_514 = arith.constant 2 : i32
    %dma_wait3A_515 = arith.constant 0 : i32
    %dma_wait3A_516 = arith.constant 0 : i32
    %dma_wait3A_517 = tpu.memref_slice %arg6[%rem3A_473, %dma_wait3A_513, %dma_wait3A_515, %dma_wait3A_516] : memref<6x4x4x1024xf32, #tpu.memory_space<vmem>> -> memref<1x1x4x1024xf32, #tpu.memory_space<vmem>>
    %dma_wait3A_518 = tpu.memref_squeeze %dma_wait3A_517 : memref<1x1x4x1024xf32, #tpu.memory_space<vmem>> -> memref<4x1024xf32, #tpu.memory_space<vmem>>
    %dma_wait3A_519 = arith.constant 0 : i32
    %dma_wait3A_520 = tpu.memref_slice %arg4[%dma_wait3A_514, %add3A_477, %dma_wait3A_519] : memref<4x2048x1024xf32, #tpu.memory_space<hbm>> -> memref<1x4x1024xf32, #tpu.memory_space<hbm>>
    %dma_wait3A_521 = tpu.memref_squeeze %dma_wait3A_520 : memref<1x4x1024xf32, #tpu.memory_space<hbm>> -> memref<4x1024xf32, #tpu.memory_space<hbm>>
    %dma_wait3A_522 = tpu.memref_slice %arg8[%rem3A_473] : memref<6x!tpu.dma_semaphore, #tpu.memory_space<semaphore_mem>> -> memref<1x!tpu.dma_semaphore, #tpu.memory_space<semaphore_mem>>
    %dma_wait3A_523 = tpu.memref_squeeze %dma_wait3A_522 : memref<1x!tpu.dma_semaphore, #tpu.memory_space<semaphore_mem>> -> memref<!tpu.dma_semaphore, #tpu.memory_space<semaphore_mem>>
    %dma_wait3A_524 = arith.constant 0 : i32
    %dma_wait3A_525 = tpu.memref_slice %arg4[%dma_wait3A_514, %add3A_477, %dma_wait3A_524] : memref<4x2048x1024xf32, #tpu.memory_space<hbm>> -> memref<1x4x1024xf32, #tpu.memory_space<hbm>>
    %dma_wait3A_526 = tpu.memref_squeeze %dma_wait3A_525 : memref<1x4x1024xf32, #tpu.memory_space<hbm>> -> memref<4x1024xf32, #tpu.memory_space<hbm>>
    %dma_wait3A_527 = arith.constant 0 : i32
    %dma_wait3A_528 = arith.constant 0 : i32
    %dma_wait3A_529 = tpu.memref_slice %arg6[%rem3A_473, %dma_wait3A_513, %dma_wait3A_527, %dma_wait3A_528] : memref<6x4x4x1024xf32, #tpu.memory_space<vmem>> -> memref<1x1x4x1024xf32, #tpu.memory_space<vmem>>
    %dma_wait3A_530 = tpu.memref_squeeze %dma_wait3A_529 : memref<1x1x4x1024xf32, #tpu.memory_space<vmem>> -> memref<4x1024xf32, #tpu.memory_space<vmem>>
    tpu.wait_dma2 semaphore(%dma_wait3A_523 : memref<!tpu.dma_semaphore, #tpu.memory_space<semaphore_mem>>) src(%dma_wait3A_530 : memref<4x1024xf32, #tpu.memory_space<vmem>>) dst(%dma_wait3A_526 : memref<4x1024xf32, #tpu.memory_space<hbm>>)
    %dma_wait3A_531 = arith.constant 3 : i32
    %dma_wait3A_532 = arith.constant 3 : i32
    %dma_wait3A_533 = arith.constant 0 : i32
    %dma_wait3A_534 = arith.constant 0 : i32
    %dma_wait3A_535 = tpu.memref_slice %arg6[%rem3A_473, %dma_wait3A_531, %dma_wait3A_533, %dma_wait3A_534] : memref<6x4x4x1024xf32, #tpu.memory_space<vmem>> -> memref<1x1x4x1024xf32, #tpu.memory_space<vmem>>
    %dma_wait3A_536 = tpu.memref_squeeze %dma_wait3A_535 : memref<1x1x4x1024xf32, #tpu.memory_space<vmem>> -> memref<4x1024xf32, #tpu.memory_space<vmem>>
    %dma_wait3A_537 = arith.constant 0 : i32
    %dma_wait3A_538 = tpu.memref_slice %arg4[%dma_wait3A_532, %add3A_477, %dma_wait3A_537] : memref<4x2048x1024xf32, #tpu.memory_space<hbm>> -> memref<1x4x1024xf32, #tpu.memory_space<hbm>>
    %dma_wait3A_539 = tpu.memref_squeeze %dma_wait3A_538 : memref<1x4x1024xf32, #tpu.memory_space<hbm>> -> memref<4x1024xf32, #tpu.memory_space<hbm>>
    %dma_wait3A_540 = tpu.memref_slice %arg8[%rem3A_473] : memref<6x!tpu.dma_semaphore, #tpu.memory_space<semaphore_mem>> -> memref<1x!tpu.dma_semaphore, #tpu.memory_space<semaphore_mem>>
    %dma_wait3A_541 = tpu.memref_squeeze %dma_wait3A_540 : memref<1x!tpu.dma_semaphore, #tpu.memory_space<semaphore_mem>> -> memref<!tpu.dma_semaphore, #tpu.memory_space<semaphore_mem>>
    %dma_wait3A_542 = arith.constant 0 : i32
    %dma_wait3A_543 = tpu.memref_slice %arg4[%dma_wait3A_532, %add3A_477, %dma_wait3A_542] : memref<4x2048x1024xf32, #tpu.memory_space<hbm>> -> memref<1x4x1024xf32, #tpu.memory_space<hbm>>
    %dma_wait3A_544 = tpu.memref_squeeze %dma_wait3A_543 : memref<1x4x1024xf32, #tpu.memory_space<hbm>> -> memref<4x1024xf32, #tpu.memory_space<hbm>>
    %dma_wait3A_545 = arith.constant 0 : i32
    %dma_wait3A_546 = arith.constant 0 : i32
    %dma_wait3A_547 = tpu.memref_slice %arg6[%rem3A_473, %dma_wait3A_531, %dma_wait3A_545, %dma_wait3A_546] : memref<6x4x4x1024xf32, #tpu.memory_space<vmem>> -> memref<1x1x4x1024xf32, #tpu.memory_space<vmem>>
    %dma_wait3A_548 = tpu.memref_squeeze %dma_wait3A_547 : memref<1x1x4x1024xf32, #tpu.memory_space<vmem>> -> memref<4x1024xf32, #tpu.memory_space<vmem>>
    tpu.wait_dma2 semaphore(%dma_wait3A_541 : memref<!tpu.dma_semaphore, #tpu.memory_space<semaphore_mem>>) src(%dma_wait3A_548 : memref<4x1024xf32, #tpu.memory_space<vmem>>) dst(%dma_wait3A_544 : memref<4x1024xf32, #tpu.memory_space<hbm>>)
    return
  }
}

</mosaic_0001>

<sc_bundles>
// kernel: kernel.3.cloned.1.call-start
scs
__scs_entry_jumppad:
0x0: {  	(pc) =	sbr.rel $0x88, $3  }
0x1: {  	(tag) =	ssettag $0x0;
	lr =	simm.s32 $0x1  }
0x2: {  	[smem:$0x3F9F] =	sst lr;
	_ =	strace $0xD0000000  }
0x3: {  	_ = 	snop  }
0x4: {  	_ = 	snop  }
0x5: {  	_ = 	snop  }
0x6: {  	_ = 	snop  }
0x7: {  	_ = 	snop  }
__scs_overlays_trampoline_lowered:
0x8: {  	[smem:$0x3FAE] =	sst s0  }
0x9: {  	[smem:$0x3FAF] =	sst s1  }
0xa: {  	[smem:$0x3FB0] =	sst s2  }
0xb: {  	[smem:$0x3FB1] =	sst s3  }
0xc: {  	[smem:$0x3FB2] =	sst s4  }
0xd: {  	[smem:$0x3FB3] =	sst s5  }
0xe: {  	[smem:$0x3FB4] =	sst s6  }
0xf: {  	[smem:$0x3FB5] =	sst s7  }
0x10: {  	[smem:$0x3FB6] =	sst s8  }
0x11: {  	[smem:$0x3FB7] =	sst s9;
	s0 =	simm.s32 @!p0 $0x0  }
0x12: {  	s1 =	sld [smem:$0x3F9D];
	s0 =	simm.s32 @p0 $0x1  }
0x13: {  	[smem:$0x3FB8] =	sst s0;
	s0 =	simm.s32 @!p1 $0x0  }
0x14: {  	s2 =	sld [smem:$0x3F9C];
	s0 =	simm.s32 @p1 $0x1  }
0x15: {  	[smem:$0x3FB9] =	sst s0;
	s0 =	simm.s32 @!p2 $0x0  }
0x16: {  	s3 =	sld [smem:$0x3FDB];
	s0 =	simm.s32 @p2 $0x1  }
0x17: {  	s4 =	simm.s32 $0x1BF5;
	[smem:$0x3FBB] =	sst s0  }
0x18: {  	s0 =	sld [smem:$0x3F9E];
	_ =	swait.ge [sflag:s4], $0x0  }
0x19: {  	s7 =	sld [smem:$0x3F9F]  }
0x1a: {  	s8 =	sadd.s32 $0xFFFFE003, lr  }
0x1b: {  	s9 =	sadd.s32 $0xFFFFFEF7, lr;
	s5 =	simm.s32 $0xFFFFFFFF;
	p2 =	slt.u32 s8, $0xFFFFF086  }
0x1c: {  	p1 =	slt.u32 s9, $0xF7A;
	s5 =	simm.s32 @!p2 $0x0  }
0x1d: {  	s5 =	simm.s32 @p1 $0x1;
	p0 =	seq.s32 s7, s2  }
0x1e: {  	s7 =	smul.u32 @!p0 $0xF7A, s2;
	p2 =	seq.s32 @!p0 s5, $0x0  }
0x1f: {  	s9 =	smul.u32 $0xF7A, s1;
	s8 =	simm.s32 @!p0 $0x1BF5;
	p2 =	por !p2, p0  }
0x20: {  	[sflag:s8] =	ssyncset.s32 @!p0 $0xFFFFF086;
	s6 =	sadd.s32 @!p0 s3, s7;
	s7 =	simm.s32 @!p0 $0x108  }
0x21: {  	s3 =	sadd.s32 s3, s9;
	s6 =	sadd.s32 @!p0 $0x88, s6;
	s7 =	simm.s32 @p2 $0x1082  }
0x22: {  	[simem:s7], [sflag:s8] =	dma.local @!p0 [hbm:s6], $0xF7A  }
0x23: {  	s9 =	sor.u32 $0xD0000000, s2;
	s6 =	simm.s32 $0x108;
	_ =	swait.ge @!p0 [sflag:s8], $0x0  }
0x24: {  	s3 =	sadd.s32 $0x88, s3;
	s6 =	simm.s32 @!p1 $0x1082;
	[sflag:s4] =	ssyncset.s32 $0xFFFFF086  }
0x25: {  	[simem:s6], [sflag:s4] =	dma.local [hbm:s3], $0xF7A  }
0x26: {  	[smem:$0x3F9F] =	sst s1;
	(tag) =	ssettag s2;
	_ =	strace s9  }
0x27: {  	s1 =	sld [smem:$0x3FAF]  }
0x28: {  	s2 =	sld [smem:$0x3FB0]  }
0x29: {  	s4 =	sld [smem:$0x3FB2]  }
0x2a: {  	p0 =	seq.s32 s5, $0x0;
	s5 =	sld [smem:$0x3FB3]  }
0x2b: {  	s6 =	sld [smem:$0x3FB4]  }
0x2c: {  	s7 =	sld [smem:$0x3FB5]  }
0x2d: {  	s3 =	simm.s32 $0x108;
	s8 =	sld [smem:$0x3FB6]  }
0x2e: {  	s3 =	simm.s32 @!p0 $0x1082;
	s9 =	sld [smem:$0x3FB7]  }
0x2f: {  	lr =	sadd.s32 s0, s3;
	s0 =	sld [smem:$0x3FAE]  }
0x30: {  	s3 =	sld [smem:$0x3FB1]  }
0x31: {  	[smem:$0x3FBA] =	sst s10  }
0x32: {  	s10 =	sld [smem:$0x3FB8];
	_ =	sdelay $0x3  }
0x33: {  	p0 =	seq.s32 s10, $0x1;
	s10 =	sld [smem:$0x3FBA];
	_ =	sdelay $0x3  }
0x34: {  	[smem:$0x3FBA] =	sst s10  }
0x35: {  	s10 =	sld [smem:$0x3FB9];
	_ =	sdelay $0x3  }
0x36: {  	p1 =	seq.s32 s10, $0x1;
	s10 =	sld [smem:$0x3FBA];
	_ =	sdelay $0x3  }
0x37: {  	[smem:$0x3FBA] =	sst s10  }
0x38: {  	s10 =	sld [smem:$0x3FBB]  }
0x39: {  	_ = 	snop;
	(pc) =	sbr.ind lr, $3  }
0x3a: {  	_ = 	snop  }
0x3b: {  	_ = 	snop  }
0x3c: {  	p2 =	seq.s32 s10, $0x1;
	s10 =	sld [smem:$0x3FBA]  }
0x3d: {  	_ =	shalt  }
0x3e: {  	_ =	shalt  }
0x3f: {  	_ =	shalt  }
0x40: {  	_ =	shalt  }
0x41: {  	_ =	shalt  }
0x42: {  	_ =	shalt  }
0x43: {  	_ =	shalt  }
0x44: {  	_ =	shalt  }
0x45: {  	_ =	shalt  }
0x46: {  	_ =	shalt  }
0x47: {  	_ =	shalt  }
0x48: {  	_ =	shalt  }
0x49: {  	_ =	shalt  }
0x4a: {  	_ =	shalt  }
0x4b: {  	_ =	shalt  }
0x4c: {  	_ =	shalt  }
0x4d: {  	_ =	shalt  }
0x4e: {  	_ =	shalt  }
0x4f: {  	_ =	shalt  }
0x50: {  	_ =	shalt  }
0x51: {  	_ =	shalt  }
0x52: {  	_ =	shalt  }
0x53: {  	_ =	shalt  }
0x54: {  	_ =	shalt  }
0x55: {  	_ =	shalt  }
0x56: {  	_ =	shalt  }
0x57: {  	_ =	shalt  }
0x58: {  	_ =	shalt  }
0x59: {  	_ =	shalt  }
0x5a: {  	_ =	shalt  }
0x5b: {  	_ =	shalt  }
0x5c: {  	_ =	shalt  }
0x5d: {  	_ =	shalt  }
0x5e: {  	_ =	shalt  }
0x5f: {  	_ =	shalt  }
0x60: {  	_ =	shalt  }
0x61: {  	_ =	shalt  }
0x62: {  	_ =	shalt  }
0x63: {  	_ =	shalt  }
0x64: {  	_ =	shalt  }
0x65: {  	_ =	shalt  }
0x66: {  	_ =	shalt  }
0x67: {  	_ =	shalt  }
0x68: {  	_ =	shalt  }
0x69: {  	_ =	shalt  }
0x6a: {  	_ =	shalt  }
0x6b: {  	_ =	shalt  }
0x6c: {  	_ =	shalt  }
0x6d: {  	_ =	shalt  }
0x6e: {  	_ =	shalt  }
0x6f: {  	_ =	shalt  }
0x70: {  	_ =	shalt  }
0x71: {  	_ =	shalt  }
0x72: {  	_ =	shalt  }
0x73: {  	_ =	shalt  }
0x74: {  	_ =	shalt  }
0x75: {  	_ =	shalt  }
0x76: {  	_ =	shalt  }
0x77: {  	_ =	shalt  }
0x78: {  	_ =	shalt  }
0x79: {  	_ =	shalt  }
0x7a: {  	_ =	shalt  }
0x7b: {  	_ =	shalt  }
0x7c: {  	_ =	shalt  }
0x7d: {  	_ =	shalt  }
0x7e: {  	_ =	shalt  }
0x7f: {  	_ =	shalt  }
0x80: {  	_ =	shalt  }
0x81: {  	_ =	shalt  }
0x82: {  	_ =	shalt  }
0x83: {  	_ =	shalt  }
0x84: {  	_ =	shalt  }
0x85: {  	_ =	shalt  }
0x86: {  	_ =	shalt  }
0x87: {  	_ =	shalt  }
.Lfunc_end0:
.L_simem_size_0:
called_computation_lowered:
.L_overlay_start_0:
0x88: {  	s2 =	sld [smem:$0x3FD9]  }
0x89: {  	s3 =	sld [smem:$0x3FFE];
	_ =	sdelay $0x1  }
0x8a: {  	s1 =	srdreg.scid  }
0x8b: {  	s0 =	sand.u32 $0x1, s1  }
0x8c: {  	s18 =	sshll.u32 s0, $0xA;
	s2 =	sadd.s32 s3, s2  }
0x8d: {  	s2 =	sadd.s32 s2, s18  }
0x8e: {  	[smem:$0x3FC6] =	sst s2  }
0x8f: {  	_ = 	snop  }
0x90: {  	s2 =	sld [smem:$0x3FC9]  }
0x91: {  	s19 =	sld [smem:$0x3FC8]  }
0x92: {  	s4 =	sld [smem:$0x3FD0];
	(tm) =	ssettm $0x1  }
0x93: {  	s5 =	sld [smem:$0x3FFB];
	_ =	sdelay $0x3  }
0x94: {  	_ =	strace s5  }
0x95: {  	s5 =	sld [smem:$0x3FFC];
	_ =	sdelay $0x3  }
0x96: {  	_ =	strace s5  }
0x97: {  	s5 =	sld [smem:$0x3FFD];
	_ =	sdelay $0x3  }
0x98: {  	_ =	strace s5  }
0x99: {  	_ =	strace $0x8FFFFFFF  }
0x9a: {  	s20 =	sld [smem:$0x3FDB];
	_ =	sdelay $0x1  }
0x9b: {  	s6 =	simm.s32 $_scs_section_size  }
0x9c: {  	s7 =	simm.s32 $_size__tile_overlayer_lowered;
	s8 =	simm.s32 $_tile_overlayer_lowered  }
0x9d: {  	s23 =	simm.s32 $0x1BFF;
	s22 =	sshll.u32 s8, $0x1;
	s5 =	sadd.s32 s6, s20  }
0x9e: {  	s9 =	simm.s32 $0x0;
	s21 =	sshll.u32 s7, $0x1;
	s7 =	sadd.s32 s22, s5  }
0x9f: {  	[timem:s9], [sflag:s23] =	dma.local [hbm:s7], s21  }
0xa0: {  	_ =	swait.ge [sflag:s23], s21  }
0xa1: {  	s6 =	ssub.s32 $0x0, s21;
	[sflag:s23] =	ssyncset.done $0x0  }
0xa2: {  	[sflag:s23] =	ssyncadd.s32 s6;
	_ =	sdelay $0x1  }
0xa3: {  	s24 =	simm.s32 $0x1B8B  }
0xa4: {  	_ =	swait.ge [sflag:s24], $0x1  }
0xa5: {  	[sflag:s24] =	ssyncset.done $0x0  }
0xa6: {  	s25 =	simm.s32 $0x1B8E;
	[sflag:s24] =	ssyncadd.s32 $0xFFFFFFFF  }
0xa7: {  	s26 =	simm.s32 $execute0_lowered;
	[smem:$0x3FD2] =	sst s25  }
0xa8: {  	s6 =	sshll.u32 s26, $0x1;
	_ =	strace $0x80000046;
	[dreg:$0x1] =	wrdreg $0xFFFFFFFF  }
0xa9: {  	s28 =	simm.s32 $_size_execute0_lowered;
	s5 =	sadd.s32 s5, s6;
	[dreg:$0x0] =	wrdreg $0x0  }
0xaa: {  	s6 =	sshll.u32 s28, $0x1;
	[dreg:$0x2] =	wrdreg s5  }
0xab: {  	[dreg:$0x3] =	wrdreg s6  }
0xac: {  	[dreg:$0x4] =	wrdreg $0xC0  }
0xad: {  	_ =	task [dreg:s9], $0x5FFFF  }
0xae: {  	[dreg:$0x1] =	wrdreg $0xFFFFFFFF  }
0xaf: {  	[dreg:$0x0] =	wrdreg $0x60  }
0xb0: {  	[dreg:$0x2] =	wrdreg s2  }
0xb1: {  	[dreg:$0x3] =	wrdreg s19  }
0xb2: {  	[dreg:$0x4] =	wrdreg s4  }
0xb3: {  	[dreg:$0x5] =	wrdreg $0x9  }
0xb4: {  	_ =	task.clear_ibuf [dreg:s9], $0x6FFFF;
	_ =	strace $0x90000046  }
0xb5: {  	s29 =	simm.s32 $0x9;
	_ =	strace $0x80000048  }
0xb6: {  	_ =	swait.ge [sflag:s29], $0x1  }
0xb7: {  	[sflag:s29] =	ssyncadd.s32 $0xFFFFFFFF  }
0xb8: {  	_ =	strace $0x90000048  }
0xb9: {  	_ =	sfence  }
0xba: {  	s30 =	sld [smem:$0x0];
	_ =	sdelay $0x2  }
0xbb: {  	s31 =	sshll.u32 s1, $0xD;
	s1 =	sshrl.u32 s1, $0x2  }
0xbc: {  	s3 =	sand.u32 $0x4000, s31;
	s1 =	sadd.s32 s1, s30  }
0xbd: {  	s0 =	sor.u32 s3, s0;
	s1 =	sshll.u32 s1, $0x11  }
0xbe: {  	s0 =	sor.u32 s1, s0  }
0xbf: {  	s0 =	sadd.s32 $0x8F2B, s0  }
0xc0: {  	[sflag:s0] =	ssyncadd.remote.s32 $0x1  }
0xc1: {  	_ =	sfence.sel $0xFFFF  }
0xc2: {  	[dreg:$0x0] =	wrdreg $0xFFFFFFFF;
	(pc) =	sbr.abs _section_cstart, $3  }
0xc3: {  	[dreg:$0x1] =	wrdreg $0xFFFFFFFF  }
0xc4: {  	_ =	task.clear_ibuf [dreg:s9], $0x2FFFF;
	_ =	strace $0x9FFFFFFF  }
0xc5: {  	(tm) =	ssettm $0x7FFFFFFF  }
tec
execute0_lowered:
.L_overlay_start_1:
0x0: {  	(tag) =	ssettag $0x1  }
0x1: {  	s1 =	rddreg [dreg:$0x0];
	s0 =	srdreg.scid  }
0x2: {  	s2 =	rddreg [dreg:$0x1];
	s5 =	stileid.u32;
	s0 =	sand.u32 $0x1, s0  }
0x3: {  	s5 =	sshll.u32 s5, $0x7;
	s3 =	ssub.s32 $0x2, s0;
	s0 =	sshll.u32 s0, $0x6  }
0x4: {  	s4 =	rddreg [dreg:$0x2];
	s6 =	simm.s32 $0x0;
	s0 =	sor.u32 s0, s5  }
0x5: {  	[smem:$0x7FF] =	sst s6;
	s10 =	sshrl.u32 s3, $0x1;
	s5 =	sshll.u32 s0, $0x7  }
0x6: {  	s3 =	ssub.s32 s3, s10;
	s10 =	sadd.s32 $0x80000, s1;
	s11 =	sadd.s32 s2, s5  }
0x7: {  	_ =	strace $0x80000047;
	s7 =	sadd.s32 s5, s10;
	[dreg:$0x4] =	wrdreg s11  }
0x8: {  	s8 =	sadd.s32 s1, s5;
	s25 =	smax.u32 s3, $0x1;
	[dreg:$0x6] =	wrdreg s7  }
0x9: {  	s12 =	sadd.s32 $0x40000, s8;
	[dreg:$0x14] =	wrdreg s25  }
0xa: {  	s13 =	sor.u32 $0x40, s5;
	s14 =	sadd.s32 $0xC0000, s8;
	[dreg:$0x5] =	wrdreg s12  }
0xb: {  	s15 =	sadd.s32 s2, s13;
	[dreg:$0x7] =	wrdreg s14  }
0xc: {  	s6 =	sshll.u32 s0, $0xA;
	s0 =	sadd.s32 s1, s13;
	[dreg:$0x8] =	wrdreg s15  }
0xd: {  	s16 =	sadd.s32 $0x40040, s8;
	[dreg:$0x9] =	wrdreg s0  }
0xe: {  	s18 =	sadd.s32 $0x80040, s8;
	[dreg:$0xa] =	wrdreg s16  }
0xf: {  	s17 =	sor.u32 $0x400, s5;
	s19 =	sadd.s32 $0xC0040, s8;
	[dreg:$0xb] =	wrdreg s18  }
0x10: {  	s20 =	sadd.s32 s2, s17;
	[dreg:$0xc] =	wrdreg s19  }
0x11: {  	s22 =	sor.u32 $0x440, s5;
	s21 =	sadd.s32 $0x40400, s8;
	[dreg:$0xd] =	wrdreg s20  }
0x12: {  	s24 =	sor.u32 $0x800, s5;
	s23 =	sadd.s32 s2, s22;
	[dreg:$0xf] =	wrdreg s21  }
0x13: {  	s5 =	sadd.s32 s2, s24;
	[dreg:$0x10] =	wrdreg s23  }
0x14: {  	s26 =	sadd.s32 $0x80400, s8;
	[dreg:$0x12] =	wrdreg s5  }
0x15: {  	s9 =	simm.s32 $0x400;
	s28 =	sadd.s32 $0xC0400, s8;
	[dreg:$0x15] =	wrdreg s26  }
0x16: {  	s29 =	sadd.s32 $0x40440, s8;
	s30 =	sadd.s32 $0x80440, s8;
	[dreg:$0x16] =	wrdreg s28  }
0x17: {  	s31 =	sadd.s32 $0xC0440, s8;
	s3 =	sadd.s32 $0x80800, s8;
	[dreg:$0x17] =	wrdreg s29  }
0x18: {  	s7 =	simm.s32 $0x200;
	s0 =	sadd.s32 s1, s17;
	[dreg:$0x18] =	wrdreg s30  }
0x19: {  	s11 =	simm.s32 $0xA;
	[dreg:$0xe] =	wrdreg s0;
	s0 =	sadd.s32 s1, s22  }
0x1a: {  	s5 =	sadd.s32 $0xC0800, s8;
	[dreg:$0x11] =	wrdreg s0;
	s0 =	sadd.s32 s1, s24  }
0x1b: {  	s12 =	simm.s32 $0x0;
	[dreg:$0x13] =	wrdreg s0;
	s0 =	sadd.s32 $0x40800, s8  }
.LBB2_1:
0x1c: {  	s13 =	simm.s32 $0x0;
	s14 =	rddreg [dreg:$0x4]  }
0x1d: {  	[tilespmem:s13], [sflag:$0x1] =	stream.strided.gather [hbm4b:s14+s7], $0x1000, s9, s7, $0x38;
	[tilespmem:$0x1E000] =	vst v63  }
0x1e: {  	s19 =	simm.s32 $0x6000  }
0x1f: {  	[tilespmem:s19], [sflag:$0x1] =	stream.strided.gather [hbm4b:s8+s7], $0x1000, s9, s7, $0x38;
	[tilespmem:$0x1E000] =	vst v63  }
0x20: {  	s20 =	rddreg [dreg:$0x5];
	s21 =	simm.s32 $0x7000  }
0x21: {  	[tilespmem:s21], [sflag:$0x1] =	stream.strided.gather [hbm4b:s20+s7], $0x1000, s9, s7, $0x38;
	[tilespmem:$0x1E000] =	vst v63  }
0x22: {  	s22 =	rddreg [dreg:$0x6];
	s23 =	simm.s32 $0x8000  }
0x23: {  	[tilespmem:s23], [sflag:$0x1] =	stream.strided.gather [hbm4b:s22+s7], $0x1000, s9, s7, $0x38;
	[tilespmem:$0x1E000] =	vst v63  }
0x24: {  	s24 =	rddreg [dreg:$0x7];
	s25 =	simm.s32 $0x9000  }
0x25: {  	[tilespmem:s25], [sflag:$0x1] =	stream.strided.gather [hbm4b:s24+s7], $0x1000, s9, s7, $0x38;
	[tilespmem:$0x1E000] =	vst v63  }
0x26: {  	s26 =	rddreg [dreg:$0x8];
	s28 =	simm.s32 $0x1000  }
0x27: {  	[tilespmem:s28], [sflag:$0x2] =	stream.strided.gather [hbm4b:s26+s7], $0x1000, s9, s7, $0x38;
	[tilespmem:$0x1E000] =	vst v63  }
0x28: {  	s29 =	rddreg [dreg:$0x9];
	s30 =	simm.s32 $0xA000  }
0x29: {  	[tilespmem:s30], [sflag:$0x2] =	stream.strided.gather [hbm4b:s29+s7], $0x1000, s9, s7, $0x38;
	[tilespmem:$0x1E000] =	vst v63  }
0x2a: {  	s15 =	simm.s32 $0xB000;
	s14 =	rddreg [dreg:$0xa]  }
0x2b: {  	[tilespmem:s15], [sflag:$0x2] =	stream.strided.gather [hbm4b:s14+s7], $0x1000, s9, s7, $0x38;
	[tilespmem:$0x1E000] =	vst v63  }
0x2c: {  	s16 =	rddreg [dreg:$0xb];
	s17 =	simm.s32 $0xC000  }
0x2d: {  	[tilespmem:s17], [sflag:$0x2] =	stream.strided.gather [hbm4b:s16+s7], $0x1000, s9, s7, $0x38;
	[tilespmem:$0x1E000] =	vst v63  }
0x2e: {  	s18 =	rddreg [dreg:$0xc];
	s19 =	simm.s32 $0xD000  }
0x2f: {  	[tilespmem:s19], [sflag:$0x2] =	stream.strided.gather [hbm4b:s18+s7], $0x1000, s9, s7, $0x38;
	[tilespmem:$0x1E000] =	vst v63  }
0x30: {  	s20 =	rddreg [dreg:$0xd];
	s21 =	simm.s32 $0x2000  }
0x31: {  	[tilespmem:s21], [sflag:$0x3] =	stream.strided.gather [hbm4b:s20+s7], $0x1000, s9, s7, $0x38;
	[tilespmem:$0x1E000] =	vst v63  }
0x32: {  	s22 =	rddreg [dreg:$0xe];
	s23 =	simm.s32 $0xE000  }
0x33: {  	[tilespmem:s23], [sflag:$0x3] =	stream.strided.gather [hbm4b:s22+s7], $0x1000, s9, s7, $0x38;
	[tilespmem:$0x1E000] =	vst v63  }
0x34: {  	s24 =	rddreg [dreg:$0xf];
	s25 =	simm.s32 $0xF000  }
0x35: {  	[tilespmem:s25], [sflag:$0x3] =	stream.strided.gather [hbm4b:s24+s7], $0x1000, s9, s7, $0x38;
	[tilespmem:$0x1E000] =	vst v63  }
0x36: {  	s26 =	rddreg [dreg:$0x15];
	s28 =	simm.s32 $0x10000  }
0x37: {  	[tilespmem:s28], [sflag:$0x3] =	stream.strided.gather [hbm4b:s26+s7], $0x1000, s9, s7, $0x38;
	[tilespmem:$0x1E000] =	vst v63  }
0x38: {  	s29 =	rddreg [dreg:$0x16];
	s30 =	simm.s32 $0x11000  }
0x39: {  	[tilespmem:s30], [sflag:$0x3] =	stream.strided.gather [hbm4b:s29+s7], $0x1000, s9, s7, $0x38;
	[tilespmem:$0x1E000] =	vst v63  }
0x3a: {  	s14 =	rddreg [dreg:$0x10];
	s15 =	simm.s32 $0x3000  }
0x3b: {  	[tilespmem:s15], [sflag:$0x4] =	stream.strided.gather [hbm4b:s14+s7], $0x1000, s9, s7, $0x38;
	[tilespmem:$0x1E000] =	vst v63  }
0x3c: {  	s16 =	rddreg [dreg:$0x11];
	s17 =	simm.s32 $0x12000  }
0x3d: {  	[tilespmem:s17], [sflag:$0x4] =	stream.strided.gather [hbm4b:s16+s7], $0x1000, s9, s7, $0x38;
	[tilespmem:$0x1E000] =	vst v63  }
0x3e: {  	s18 =	rddreg [dreg:$0x17];
	s19 =	simm.s32 $0x13000  }
0x3f: {  	[tilespmem:s19], [sflag:$0x4] =	stream.strided.gather [hbm4b:s18+s7], $0x1000, s9, s7, $0x38;
	[tilespmem:$0x1E000] =	vst v63  }
0x40: {  	s20 =	rddreg [dreg:$0x18];
	s21 =	simm.s32 $0x14000  }
0x41: {  	[tilespmem:s21], [sflag:$0x4] =	stream.strided.gather [hbm4b:s20+s7], $0x1000, s9, s7, $0x38;
	[tilespmem:$0x1E000] =	vst v63  }
0x42: {  	s22 =	simm.s32 $0x15000  }
0x43: {  	[tilespmem:s22], [sflag:$0x4] =	stream.strided.gather [hbm4b:s31+s7], $0x1000, s9, s7, $0x38;
	[tilespmem:$0x1E000] =	vst v63  }
0x44: {  	s23 =	rddreg [dreg:$0x12];
	s24 =	simm.s32 $0x4000  }
0x45: {  	[tilespmem:s24], [sflag:$0x5] =	stream.strided.gather [hbm4b:s23+s7], $0x1000, s9, s7, $0x38;
	[tilespmem:$0x1E000] =	vst v63  }
0x46: {  	s25 =	rddreg [dreg:$0x13];
	s26 =	simm.s32 $0x16000  }
0x47: {  	[tilespmem:s26], [sflag:$0x5] =	stream.strided.gather [hbm4b:s25+s7], $0x1000, s9, s7, $0x38;
	[tilespmem:$0x1E000] =	vst v63  }
0x48: {  	s28 =	simm.s32 $0x17000  }
0x49: {  	[tilespmem:s28], [sflag:$0x5] =	stream.strided.gather [hbm4b:s0+s7], $0x1000, s9, s7, $0x38;
	[tilespmem:$0x1E000] =	vst v63  }
0x4a: {  	s29 =	simm.s32 $0x18000  }
0x4b: {  	[tilespmem:s29], [sflag:$0x5] =	stream.strided.gather [hbm4b:s3+s7], $0x1000, s9, s7, $0x38;
	[tilespmem:$0x1E000] =	vst v63  }
0x4c: {  	s13 =	simm.s32 $0x0;
	s30 =	simm.s32 $0x19000  }
0x4d: {  	[tilespmem:s30], [sflag:$0x5] =	stream.strided.gather [hbm4b:s5+s7], $0x1000, s9, s7, $0x38;
	[tilespmem:$0x1E000] =	vst v63  }
.LBB2_2:
0x4e: {  	p0 =	seq.s32 s13, $0x0  }
0x4f: {  	s14 =	sadd.s32 @!p0 $0xFFFFFFFF, s13  }
0x50: {  	s15 =	sand.u32 @!p0 $0xFF, s14  }
0x51: {  	s15 =	smul.u32 @!p0 $0xAB, s15;
	_ =	sdelay $0x1  }
0x52: {  	s15 =	sshrl.u32 @!p0 s15, $0xA  }
0x53: {  	s15 =	smul.u32 @!p0 $0x6, s15;
	_ =	sdelay $0x1  }
0x54: {  	s14 =	ssub.s32 @!p0 s14, s15  }
0x55: {  	s14 =	sand.u32 @!p0 $0xFF, s14  }
0x56: {  	s14 =	sadd.s32 @!p0 $0x7, s14  }
0x57: {  	_ =	swait.ge @!p0 [sflag:s14], $0x1000  }
0x58: {  	[sflag:s14] =	ssyncset.done @!p0 $0x0  }
0x59: {  	[sflag:s14] =	ssyncadd.s32 @!p0 $0xFFFFF000  }
0x5a: {  	_ =	swait.ge @!p0 [sflag:s14], $0x1000  }
0x5b: {  	[sflag:s14] =	ssyncset.done @!p0 $0x0  }
0x5c: {  	p1 =	sgt.u32 @!p0 s13, $0xA;
	[sflag:s14] =	ssyncadd.s32 @!p0 $0xFFFFF000  }
0x5d: {  	p1 =	por p0, !p1;
	_ =	swait.ge @!p0 [sflag:s14], $0x1000  }
.Ltmp0:
0x5e: {  	[sflag:s14] =	ssyncset.done @!p0 $0x0;
	(pc) =	sbr.rel @!p1 .LBB2_4-.Ltmp0, $4  }
0x5f: {  	[sflag:s14] =	ssyncadd.s32 @!p0 $0xFFFFF000  }
0x60: {  	_ =	swait.ge @!p0 [sflag:s14], $0x1000  }
0x61: {  	[sflag:s14] =	ssyncset.done @!p0 $0x0  }
0x62: {  	[sflag:s14] =	ssyncadd.s32 @!p0 $0xFFFFF000;
	s14 =	smov.u32 s13  }
0x63: {  	s14 =	sadd.s32 $0x5, s13  }
0x64: {  	s15 =	smul.u32 $0xAB, s14;
	_ =	sdelay $0x1  }
0x65: {  	s15 =	sshrl.u32 s15, $0xA  }
0x66: {  	s15 =	sand.u32 $0x3F, s15  }
0x67: {  	s16 =	sshll.u32 s14, $0xC;
	s15 =	smul.u32 $0x6, s15  }
0x68: {  	s17 =	sshll.u32 s14, $0x9;
	s16 =	sadd.s32 s6, s16  }
0x69: {  	s22 =	sand.u32 $0x200, s17;
	s21 =	sand.u32 $0x3FE000, s16;
	s14 =	ssub.s32 s14, s15  }
0x6a: {  	s15 =	sor.u32 s22, s21;
	s14 =	sand.u32 $0xFF, s14  }
0x6b: {  	s24 =	sshrl.u32 s15, $0x3;
	s28 =	sadd.s32 $0x200000, s15;
	s23 =	sshll.u32 s14, $0xE  }
0x6c: {  	s14 =	sadd.s32 $0x1, s14;
	s19 =	sadd.s32 s2, s24;
	s18 =	sshrl.u32 s23, $0x2  }
0x6d: {  	[tilespmem:s18], [sflag:s14] =	stream.strided.gather [hbm4b:s19+s7], $0x1000, s9, s7, $0x38;
	[tilespmem:$0x1E000] =	vst v63  }
0x6e: {  	s26 =	sadd.s32 s1, s24;
	s25 =	sadd.s32 $0x6000, s23;
	s18 =	sshrl.u32 s28, $0x3  }
0x6f: {  	[tilespmem:s25], [sflag:s14] =	stream.strided.gather [hbm4b:s26+s7], $0x1000, s9, s7, $0x38;
	[tilespmem:$0x1E000] =	vst v63  }
0x70: {  	s15 =	sadd.s32 $0x600000, s15;
	s29 =	sadd.s32 $0x7000, s23;
	s18 =	sadd.s32 s1, s18  }
0x71: {  	[tilespmem:s29], [sflag:s14] =	stream.strided.gather [hbm4b:s18+s7], $0x1000, s9, s7, $0x38;
	[tilespmem:$0x1E000] =	vst v63  }
0x72: {  	s17 =	sadd.s32 s24, s10;
	s15 =	sshrl.u32 s15, $0x3;
	s30 =	sadd.s32 $0x8000, s23  }
0x73: {  	[tilespmem:s30], [sflag:s14] =	stream.strided.gather [hbm4b:s17+s7], $0x1000, s9, s7, $0x38;
	[tilespmem:$0x1E000] =	vst v63  }
0x74: {  	s16 =	sadd.s32 $0x9000, s23;
	s15 =	sadd.s32 s1, s15  }
0x75: {  	[tilespmem:s16], [sflag:s14] =	stream.strided.gather [hbm4b:s15+s7], $0x1000, s9, s7, $0x38;
	[tilespmem:$0x1E000] =	vst v63  }
0x76: {  	s14 =	smov.u32 s13  }
0x77: {  	s14 =	simm.s32 @p0 $0x0  }
.LBB2_4:
0x78: {  	s15 =	sand.u32 $0xFF, s14  }
0x79: {  	s15 =	smul.u32 $0xAB, s15;
	_ =	sdelay $0x1  }
0x7a: {  	s15 =	sshrl.u32 s15, $0xA  }
0x7b: {  	s15 =	smul.u32 $0x6, s15;
	_ =	sdelay $0x1  }
0x7c: {  	s23 =	ssub.s32 s14, s15  }
0x7d: {  	s14 =	sand.u32 $0xFF, s23  }
0x7e: {  	s16 =	sadd.s32 $0x1, s14  }
0x7f: {  	_ =	swait.ge [sflag:s16], $0x1000  }
0x80: {  	[sflag:s16] =	ssyncset.done $0x0  }
0x81: {  	[sflag:s16] =	ssyncadd.s32 $0xFFFFF000  }
0x82: {  	_ =	swait.ge [sflag:s16], $0x1000  }
0x83: {  	[sflag:s16] =	ssyncset.done $0x0  }
0x84: {  	[sflag:s16] =	ssyncadd.s32 $0xFFFFF000  }
0x85: {  	_ =	swait.ge [sflag:s16], $0x1000  }
0x86: {  	[sflag:s16] =	ssyncset.done $0x0  }
0x87: {  	[sflag:s16] =	ssyncadd.s32 $0xFFFFF000  }
0x88: {  	_ =	swait.ge [sflag:s16], $0x1000  }
0x89: {  	[sflag:s16] =	ssyncset.done $0x0  }
0x8a: {  	s24 =	simm.s32 $0x0;
	s19 =	sshll.u32 s14, $0xE;
	[sflag:s16] =	ssyncadd.s32 $0xFFFFF000  }
0x8b: {  	s21 =	sand.u32 $0xE00, s24;
	s17 =	sshrl.u32 s19, $0x2;
	_ =	swait.ge [sflag:s16], $0x1000  }
0x8c: {  	s20 =	sand.u32 $0x180, s24;
	s18 =	sadd.s32 s21, s17;
	[sflag:s16] =	ssyncset.done $0x0  }
0x8d: {  	s15 =	sadd.s32 $0x6000, s19;
	s25 =	sadd.s32 s20, s18;
	[sflag:s16] =	ssyncadd.s32 $0xFFFFF000  }
0x8e: {  	s26 =	sadd.s32 s21, s15;
	v0 =	vld [tilespmem:s25+$0x70]  }
0x8f: {  	s24 =	sadd.s32 s20, s26;
	v1 =	vld [tilespmem:s25+$0x0]  }
0x90: {  	v2 =	vld [tilespmem:s24+$0x70]  }
0x91: {  	v3 =	vld [tilespmem:s25+$0x10]  }
0x92: {  	v4 =	vld [tilespmem:s25+$0x20]  }
0x93: {  	v5 =	vld [tilespmem:s25+$0x30]  }
0x94: {  	v6 =	vld [tilespmem:s25+$0x40]  }
0x95: {  	v7 =	vld [tilespmem:s25+$0x50]  }
0x96: {  	v8 =	vld [tilespmem:s25+$0x60]  }
0x97: {  	v9 =	vld [tilespmem:s24+$0x0]  }
0x98: {  	v11 =	vld [tilespmem:s24+$0x20];
	v10 =	vmul.f32 $3.200000000e+01, v0  }
0x99: {  	v0 =	vld [tilespmem:s24+$0x10]  }
0x9a: {  	s16 =	sadd.s32 $0x7000, s19;
	v12 =	vld [tilespmem:s24+$0x30];
	v1 =	vmul.f32 $3.200000000e+01, v1;
	v2 =	vadd.f32 v10, v2  }
0x9b: {  	s28 =	sadd.s32 s21, s16;
	v13 =	vld [tilespmem:s24+$0x40];
	v4 =	vmul.f32 $3.200000000e+01, v4  }
0x9c: {  	s22 =	sadd.s32 s20, s28;
	v3 =	vmul.f32 $3.200000000e+01, v3;
	[tilespmem:s24+$0x70] =	vst v2;
	v2 =	vadd.f32 v1, v9;
	v9 =	vld [tilespmem:s24+$0x50]  }
0x9d: {  	v5 =	vmul.f32 $3.200000000e+01, v5;
	v11 =	vadd.f32 v4, v11;
	v14 =	vld [tilespmem:s22+$0x70]  }
0x9e: {  	v6 =	vmul.f32 $3.200000000e+01, v6;
	v0 =	vadd.f32 v3, v0;
	[tilespmem:s24+$0x0] =	vst v2;
	v2 =	vld [tilespmem:s24+$0x60]  }
0x9f: {  	v7 =	vmul.f32 $3.200000000e+01, v7;
	v12 =	vadd.f32 v5, v12;
	[tilespmem:s24+$0x20] =	vst v11;
	v15 =	vld [tilespmem:s22+$0x0]  }
0xa0: {  	v11 =	vadd.f32 v6, v13;
	[tilespmem:s24+$0x10] =	vst v0;
	v0 =	vmul.f32 $3.200000000e+01, v8;
	v8 =	vld [tilespmem:s22+$0x20]  }
0xa1: {  	[tilespmem:s24+$0x30] =	vst v12;
	v16 =	vld [tilespmem:s22+$0x10];
	v9 =	vadd.f32 v7, v9  }
0xa2: {  	[tilespmem:s24+$0x40] =	vst v11;
	v12 =	vadd.f32 v14, v10  }
0xa3: {  	s18 =	sadd.s32 $0x8000, s19;
	v13 =	vld [tilespmem:s22+$0x30];
	v2 =	vadd.f32 v0, v2;
	[tilespmem:s24+$0x50] =	vst v9  }
0xa4: {  	s23 =	sadd.s32 s21, s18;
	v11 =	vld [tilespmem:s22+$0x40];
	[tilespmem:s22+$0x70] =	vst v12;
	v9 =	vadd.f32 v15, v1  }
0xa5: {  	s23 =	sadd.s32 s20, s23;
	v12 =	vld [tilespmem:s22+$0x50];
	v8 =	vadd.f32 v8, v4;
	[tilespmem:s24+$0x60] =	vst v2  }
0xa6: {  	v14 =	vld [tilespmem:s23+$0x70];
	v2 =	vadd.f32 v16, v3;
	[tilespmem:s22+$0x0] =	vst v9  }
0xa7: {  	v9 =	vld [tilespmem:s22+$0x60];
	[tilespmem:s22+$0x20] =	vst v8  }
0xa8: {  	v15 =	vld [tilespmem:s23+$0x0];
	[tilespmem:s22+$0x10] =	vst v2;
	v2 =	vadd.f32 v13, v5  }
0xa9: {  	v8 =	vadd.f32 v11, v6;
	v11 =	vld [tilespmem:s23+$0x20]  }
0xaa: {  	v13 =	vld [tilespmem:s23+$0x10];
	[tilespmem:s22+$0x30] =	vst v2;
	v2 =	vadd.f32 v12, v7  }
0xab: {  	s19 =	sadd.s32 $0x9000, s19;
	[tilespmem:s22+$0x40] =	vst v8;
	v12 =	vadd.f32 v14, v10;
	v14 =	vld [tilespmem:s23+$0x30]  }
0xac: {  	s21 =	sadd.s32 s21, s19;
	v8 =	vadd.f32 v9, v0;
	v9 =	vld [tilespmem:s23+$0x40];
	[tilespmem:s22+$0x50] =	vst v2  }
0xad: {  	s20 =	sadd.s32 s20, s21;
	[tilespmem:s23+$0x70] =	vst v12;
	v2 =	vadd.f32 v15, v1;
	v12 =	vld [tilespmem:s23+$0x50]  }
0xae: {  	v11 =	vadd.f32 v11, v4;
	v15 =	vld [tilespmem:s20+$0x70];
	[tilespmem:s22+$0x60] =	vst v8  }
0xaf: {  	s29 =	simm.s32 $0x200;
	v8 =	vadd.f32 v13, v3;
	[tilespmem:s23+$0x0] =	vst v2;
	v2 =	vld [tilespmem:s23+$0x60]  }
0xb0: {  	s21 =	simm.s32 $0x10;
	s22 =	sand.u32 $0xE00, s29;
	[tilespmem:s23+$0x20] =	vst v11;
	v13 =	vld [tilespmem:s20+$0x0]  }
0xb1: {  	s24 =	sand.u32 $0x180, s21;
	s25 =	sadd.s32 s22, s17;
	[tilespmem:s23+$0x10] =	vst v8;
	v11 =	vld [tilespmem:s20+$0x20]  }
0xb2: {  	v8 =	vadd.f32 v14, v5;
	s26 =	sadd.s32 s24, s25;
	v14 =	vld [tilespmem:s20+$0x10]  }
0xb3: {  	s30 =	sadd.s32 s22, s15;
	v62 =	vld [tilespmem:s26+$0x70]  }
0xb4: {  	s25 =	sadd.s32 s24, s30;
	v17 =	vld [tilespmem:s26+$0x0]  }
0xb5: {  	v18 =	vld [tilespmem:s25+$0x70]  }
0xb6: {  	v19 =	vld [tilespmem:s26+$0x10]  }
0xb7: {  	v20 =	vld [tilespmem:s26+$0x20]  }
0xb8: {  	v9 =	vadd.f32 v9, v6;
	v21 =	vld [tilespmem:s26+$0x40];
	[tilespmem:s23+$0x30] =	vst v8  }
0xb9: {  	v8 =	vadd.f32 v12, v7;
	v12 =	vld [tilespmem:s20+$0x30]  }
0xba: {  	[tilespmem:s23+$0x40] =	vst v9;
	v10 =	vadd.f32 v15, v10;
	v15 =	vld [tilespmem:s26+$0x30]  }
0xbb: {  	v9 =	vld [tilespmem:s20+$0x40];
	[tilespmem:s23+$0x50] =	vst v8;
	v2 =	vadd.f32 v2, v0  }
0xbc: {  	v8 =	vld [tilespmem:s20+$0x50];
	[tilespmem:s20+$0x70] =	vst v10;
	v1 =	vadd.f32 v13, v1  }
0xbd: {  	v10 =	vld [tilespmem:s26+$0x50];
	v16 =	vmul.f32 $3.200000000e+01, v62;
	[tilespmem:s23+$0x60] =	vst v2;
	v2 =	vadd.f32 v14, v3  }
0xbe: {  	v13 =	vld [tilespmem:s26+$0x60];
	[tilespmem:s20+$0x0] =	vst v1;
	v1 =	vadd.f32 v11, v4  }
0xbf: {  	v3 =	vld [tilespmem:s25+$0x0];
	v18 =	vadd.f32 v16, v18;
	[tilespmem:s20+$0x10] =	vst v2  }
0xc0: {  	s28 =	sadd.s32 s22, s16;
	[tilespmem:s20+$0x20] =	vst v1;
	v1 =	vadd.f32 v9, v6;
	v9 =	vld [tilespmem:s25+$0x20]  }
0xc1: {  	s29 =	sadd.s32 s24, s28;
	v11 =	vld [tilespmem:s25+$0x10];
	v2 =	vadd.f32 v12, v5;
	[tilespmem:s25+$0x70] =	vst v18  }
0xc2: {  	v6 =	vmul.f32 $3.200000000e+01, v17;
	v4 =	vld [tilespmem:s29+$0x70]  }
0xc3: {  	v14 =	vld [tilespmem:s25+$0x60];
	v5 =	vmul.f32 $3.200000000e+01, v20;
	[tilespmem:s20+$0x30] =	vst v2;
	v2 =	vadd.f32 v8, v7  }
0xc4: {  	v7 =	vld [tilespmem:s25+$0x30];
	[tilespmem:s20+$0x40] =	vst v1;
	v1 =	vmul.f32 $3.200000000e+01, v19;
	v3 =	vadd.f32 v6, v3  }
0xc5: {  	v8 =	vld [tilespmem:s25+$0x40];
	[tilespmem:s20+$0x50] =	vst v2;
	v9 =	vadd.f32 v5, v9  }
0xc6: {  	v12 =	vld [tilespmem:s25+$0x50];
	[tilespmem:s25+$0x0] =	vst v3;
	v11 =	vadd.f32 v1, v11  }
0xc7: {  	v2 =	vmul.f32 $3.200000000e+01, v15;
	v15 =	vld [tilespmem:s29+$0x0];
	v4 =	vadd.f32 v4, v16;
	[tilespmem:s25+$0x20] =	vst v9  }
0xc8: {  	s30 =	sadd.s32 s22, s18;
	v3 =	vmul.f32 $3.200000000e+01, v21;
	[tilespmem:s25+$0x10] =	vst v11;
	v9 =	vld [tilespmem:s29+$0x20]  }
0xc9: {  	s23 =	sadd.s32 s24, s30;
	[tilespmem:s29+$0x70] =	vst v4;
	v4 =	vmul.f32 $3.200000000e+01, v10;
	v10 =	vadd.f32 v2, v7;
	v7 =	vmul.f32 $3.200000000e+01, v13;
	v13 =	vld [tilespmem:s29+$0x10]  }
0xca: {  	v8 =	vadd.f32 v3, v8;
	v11 =	vld [tilespmem:s23+$0x70]  }
0xcb: {  	[tilespmem:s25+$0x30] =	vst v10;
	v10 =	vadd.f32 v4, v12  }
0xcc: {  	[tilespmem:s25+$0x40] =	vst v8;
	v8 =	vadd.f32 v7, v14;
	v12 =	vld [tilespmem:s29+$0x30]  }
0xcd: {  	v14 =	vadd.f32 v15, v6;
	v15 =	vld [tilespmem:s29+$0x40];
	[tilespmem:s25+$0x50] =	vst v10  }
0xce: {  	[tilespmem:s25+$0x60] =	vst v8;
	v9 =	vadd.f32 v9, v5;
	v10 =	vld [tilespmem:s29+$0x50]  }
0xcf: {  	[tilespmem:s29+$0x0] =	vst v14;
	v8 =	vadd.f32 v11, v16;
	v11 =	vadd.f32 v13, v1;
	v13 =	vld [tilespmem:s29+$0x60]  }
0xd0: {  	v14 =	vld [tilespmem:s23+$0x0];
	[tilespmem:s29+$0x20] =	vst v9  }
0xd1: {  	[tilespmem:s23+$0x70] =	vst v8;
	v8 =	vadd.f32 v12, v2  }
0xd2: {  	s22 =	sadd.s32 s22, s19;
	v9 =	vadd.f32 v15, v3;
	v15 =	vld [tilespmem:s23+$0x20];
	[tilespmem:s29+$0x10] =	vst v11  }
0xd3: {  	s25 =	sadd.s32 s24, s22;
	v12 =	vld [tilespmem:s23+$0x10];
	[tilespmem:s29+$0x30] =	vst v8;
	v8 =	vadd.f32 v10, v4  }
0xd4: {  	v11 =	vld [tilespmem:s25+$0x70];
	[tilespmem:s29+$0x40] =	vst v9;
	v9 =	vadd.f32 v13, v7  }
0xd5: {  	v10 =	vld [tilespmem:s23+$0x30];
	v13 =	vadd.f32 v14, v6;
	[tilespmem:s29+$0x50] =	vst v8  }
0xd6: {  	v14 =	vld [tilespmem:s23+$0x40];
	[tilespmem:s29+$0x60] =	vst v9  }
0xd7: {  	v63 =	vld [tilespmem:s23+$0x50];
	[tilespmem:s23+$0x0] =	vst v13;
	v13 =	vadd.f32 v15, v5  }
0xd8: {  	v9 =	vadd.f32 v12, v1;
	v12 =	vld [tilespmem:s23+$0x60]  }
0xd9: {  	v8 =	vadd.f32 v11, v16;
	v11 =	vld [tilespmem:s25+$0x0];
	[tilespmem:s23+$0x20] =	vst v13  }
0xda: {  	[tilespmem:s23+$0x10] =	vst v9;
	v15 =	vadd.f32 v10, v2;
	v10 =	vld [tilespmem:s20+$0x60]  }
0xdb: {  	[tilespmem:s25+$0x70] =	vst v8;
	v14 =	vadd.f32 v14, v3;
	v8 =	vld [tilespmem:s25+$0x10]  }
0xdc: {  	s22 =	simm.s32 $0x8;
	s24 =	simm.s32 $0x400;
	v9 =	vld [tilespmem:s25+$0x20];
	[tilespmem:s23+$0x30] =	vst v15;
	v13 =	vadd.f32 v63, v4  }
.LBB2_5:
0xdd: {  	s26 =	sand.u32 $0xE00, s24;
	s22 =	sadd.s32 $0x8, s22;
	v15 =	vld [tilespmem:s25+$0x30];
	[tilespmem:s23+$0x40] =	vst v14;
	v12 =	vadd.f32 v12, v7;
	s21 =	sadd.s32 $0x10, s21  }
0xde: {  	s28 =	sand.u32 $0x180, s21;
	s29 =	sadd.s32 s26, s17;
	p0 =	slt.u32 s22, $0xF8;
	v6 =	vadd.f32 v11, v6;
	v11 =	vld [tilespmem:s25+$0x40];
	[tilespmem:s23+$0x50] =	vst v13  }
0xdf: {  	s29 =	sadd.s32 s28, s29;
	v13 =	vld [tilespmem:s25+$0x50];
	[tilespmem:s23+$0x60] =	vst v12;
	v10 =	vadd.f32 v10, v0;
	v0 =	vmov v7  }
0xe0: {  	s23 =	sadd.s32 s26, s15;
	v7 =	vld [tilespmem:s29+$0x70];
	[tilespmem:s25+$0x0] =	vst v6;
	v1 =	vadd.f32 v8, v1  }
0xe1: {  	s30 =	sadd.s32 s28, s23;
	v6 =	vld [tilespmem:s29+$0x0];
	v5 =	vadd.f32 v9, v5;
	[tilespmem:s20+$0x60] =	vst v10;
	s20 =	smov.u32 s25  }
0xe2: {  	v8 =	vld [tilespmem:s30+$0x70];
	[tilespmem:s20+$0x10] =	vst v1;
	v1 =	vadd.f32 v15, v2  }
0xe3: {  	v2 =	vld [tilespmem:s29+$0x10];
	[tilespmem:s20+$0x20] =	vst v5;
	v3 =	vadd.f32 v11, v3  }
0xe4: {  	v5 =	vld [tilespmem:s29+$0x20];
	[tilespmem:s20+$0x30] =	vst v1;
	v1 =	vadd.f32 v13, v4  }
0xe5: {  	v4 =	vld [tilespmem:s29+$0x30];
	v9 =	vmul.f32 $3.200000000e+01, v7;
	[tilespmem:s20+$0x40] =	vst v3  }
0xe6: {  	v6 =	vmul.f32 $3.200000000e+01, v6;
	v3 =	vld [tilespmem:s29+$0x40];
	[tilespmem:s20+$0x50] =	vst v1  }
0xe7: {  	v7 =	vld [tilespmem:s29+$0x50];
	v8 =	vadd.f32 v9, v8  }
0xe8: {  	s23 =	sadd.s32 s26, s16;
	v1 =	vmul.f32 $3.200000000e+01, v2;
	v10 =	vld [tilespmem:s29+$0x60]  }
0xe9: {  	s29 =	sadd.s32 s28, s23;
	v11 =	vld [tilespmem:s30+$0x0];
	v5 =	vmul.f32 $3.200000000e+01, v5;
	[tilespmem:s30+$0x70] =	vst v8  }
0xea: {  	v2 =	vmul.f32 $3.200000000e+01, v4;
	v8 =	vld [tilespmem:s29+$0x70]  }
0xeb: {  	v12 =	vld [tilespmem:s30+$0x10];
	v3 =	vmul.f32 $3.200000000e+01, v3  }
0xec: {  	v13 =	vld [tilespmem:s30+$0x20];
	v4 =	vmul.f32 $3.200000000e+01, v7  }
0xed: {  	v14 =	vld [tilespmem:s30+$0x30];
	v7 =	vmul.f32 $3.200000000e+01, v10  }
0xee: {  	v10 =	vadd.f32 v6, v11;
	v11 =	vld [tilespmem:s30+$0x40]  }
0xef: {  	v15 =	vld [tilespmem:s30+$0x50];
	v8 =	vadd.f32 v8, v9  }
0xf0: {  	s23 =	sadd.s32 s26, s18;
	[tilespmem:s30+$0x0] =	vst v10;
	v10 =	vadd.f32 v1, v12;
	v12 =	vld [tilespmem:s30+$0x60]  }
0xf1: {  	s23 =	sadd.s32 s28, s23;
	v16 =	vld [tilespmem:s29+$0x0];
	v13 =	vadd.f32 v5, v13;
	[tilespmem:s29+$0x70] =	vst v8  }
0xf2: {  	[tilespmem:s30+$0x10] =	vst v10;
	v8 =	vadd.f32 v2, v14;
	v10 =	vld [tilespmem:s23+$0x70]  }
0xf3: {  	v14 =	vld [tilespmem:s29+$0x10];
	[tilespmem:s30+$0x20] =	vst v13;
	v11 =	vadd.f32 v3, v11  }
0xf4: {  	v13 =	vld [tilespmem:s29+$0x20];
	[tilespmem:s30+$0x30] =	vst v8;
	v8 =	vadd.f32 v4, v15  }
0xf5: {  	v15 =	vld [tilespmem:s29+$0x30];
	[tilespmem:s30+$0x40] =	vst v11;
	v11 =	vadd.f32 v7, v12  }
0xf6: {  	v12 =	vadd.f32 v16, v6;
	v16 =	vld [tilespmem:s29+$0x40];
	[tilespmem:s30+$0x50] =	vst v8  }
0xf7: {  	v8 =	vld [tilespmem:s29+$0x50];
	[tilespmem:s30+$0x60] =	vst v11;
	v10 =	vadd.f32 v10, v9  }
0xf8: {  	s25 =	sadd.s32 s26, s19;
	[tilespmem:s29+$0x0] =	vst v12;
	v11 =	vadd.f32 v14, v1;
	v12 =	vld [tilespmem:s29+$0x60]  }
0xf9: {  	s25 =	sadd.s32 s28, s25;
	v14 =	vld [tilespmem:s23+$0x0];
	v13 =	vadd.f32 v13, v5;
	[tilespmem:s23+$0x70] =	vst v10  }
0xfa: {  	[tilespmem:s29+$0x10] =	vst v11;
	v10 =	vadd.f32 v15, v2;
	v11 =	vld [tilespmem:s25+$0x70]  }
0xfb: {  	v15 =	vld [tilespmem:s23+$0x10];
	[tilespmem:s29+$0x20] =	vst v13;
	v13 =	vadd.f32 v16, v3  }
0xfc: {  	v16 =	vld [tilespmem:s23+$0x20];
	[tilespmem:s29+$0x30] =	vst v10;
	v8 =	vadd.f32 v8, v4  }
0xfd: {  	v10 =	vld [tilespmem:s23+$0x30];
	[tilespmem:s29+$0x40] =	vst v13;
	v12 =	vadd.f32 v12, v7  }
0xfe: {  	v13 =	vadd.f32 v14, v6;
	v14 =	vld [tilespmem:s23+$0x40];
	[tilespmem:s29+$0x50] =	vst v8  }
0xff: {  	v17 =	vld [tilespmem:s23+$0x50];
	[tilespmem:s29+$0x60] =	vst v12;
	v8 =	vadd.f32 v11, v9  }
.Ltmp1:
0x100: {  	[tilespmem:s23+$0x0] =	vst v13;
	v9 =	vadd.f32 v15, v1;
	v12 =	vld [tilespmem:s23+$0x60];
	(pc) =	sbr.rel @p0 .LBB2_5-.Ltmp1, $4  }
0x101: {  	v11 =	vld [tilespmem:s25+$0x0];
	v13 =	vadd.f32 v16, v5;
	[tilespmem:s25+$0x70] =	vst v8  }
0x102: {  	[tilespmem:s23+$0x10] =	vst v9;
	v15 =	vadd.f32 v10, v2;
	v10 =	vld [tilespmem:s20+$0x60]  }
0x103: {  	v8 =	vld [tilespmem:s25+$0x10];
	[tilespmem:s23+$0x20] =	vst v13;
	v14 =	vadd.f32 v14, v3  }
0x104: {  	s24 =	sadd.s32 $0x200, s24;
	v9 =	vld [tilespmem:s25+$0x20];
	[tilespmem:s23+$0x30] =	vst v15;
	v13 =	vadd.f32 v17, v4  }
0x105: {  	v15 =	vld [tilespmem:s25+$0x30];
	[tilespmem:s23+$0x40] =	vst v14;
	v12 =	vadd.f32 v12, v7  }
0x106: {  	v6 =	vadd.f32 v11, v6;
	v58 =	vld [tilespmem:s25+$0x40];
	[tilespmem:s23+$0x50] =	vst v13  }
0x107: {  	v13 =	vld [tilespmem:s25+$0x50];
	[tilespmem:s23+$0x60] =	vst v12;
	v0 =	vadd.f32 v10, v0  }
0x108: {  	[tilespmem:s25+$0x0] =	vst v6;
	v1 =	vadd.f32 v8, v1;
	v59 =	vld [tilespmem:s25+$0x60]  }
0x109: {  	v5 =	vadd.f32 v9, v5;
	[tilespmem:s20+$0x60] =	vst v0  }
0x10a: {  	s17 =	sshll.u32 s13, $0xC;
	s26 =	sshll.u32 s13, $0x9;
	[tilespmem:s25+$0x10] =	vst v1;
	v60 =	vadd.f32 v15, v2  }
0x10b: {  	s17 =	sand.u32 $0xE000, s17;
	s20 =	sand.u32 $0x200, s26;
	[tilespmem:s25+$0x20] =	vst v5;
	v61 =	vadd.f32 v58, v3  }
0x10c: {  	s17 =	sor.u32 s17, s20;
	[tilespmem:s25+$0x30] =	vst v60;
	v62 =	vadd.f32 v13, v4  }
0x10d: {  	s17 =	sor.u32 s6, s17;
	[tilespmem:s25+$0x40] =	vst v61;
	v63 =	vadd.f32 v59, v7  }
0x10e: {  	s17 =	sshrl.u32 s17, $0x3;
	[tilespmem:s25+$0x50] =	vst v62  }
0x10f: {  	s14 =	sadd.s32 $0x7, s14;
	s13 =	sadd.s32 $0x1, s13;
	s17 =	sadd.s32 s4, s17;
	[tilespmem:s25+$0x60] =	vst v63  }
0x110: {  	[hbm4b:s17+s7] =	stream.strided.scatter [tilespmem:s15], [sflag:s14], $0x1000, s9, s7, $0x38;
	[tilespmem:$0x1E000] =	vst v63  }
0x111: {  	p0 =	sne.s32 s13, $0x10;
	s28 =	sadd.s32 $0x40000, s17  }
0x112: {  	[hbm4b:s28+s7] =	stream.strided.scatter [tilespmem:s16], [sflag:s14], $0x1000, s9, s7, $0x38;
	[tilespmem:$0x1E000] =	vst v63  }
.Ltmp2:
0x113: {  	_ = 	snop;
	(pc) =	sbr.rel @p0 .LBB2_2-.Ltmp2, $4  }
0x114: {  	s29 =	sadd.s32 $0x80000, s17  }
0x115: {  	[hbm4b:s29+s7] =	stream.strided.scatter [tilespmem:s18], [sflag:s14], $0x1000, s9, s7, $0x38;
	[tilespmem:$0x1E000] =	vst v63  }
0x116: {  	s30 =	sadd.s32 $0xC0000, s17  }
0x117: {  	[hbm4b:s30+s7] =	stream.strided.scatter [tilespmem:s19], [sflag:s14], $0x1000, s9, s7, $0x38;
	[tilespmem:$0x1E000] =	vst v63  }
0x118: {  	_ =	swait.ge [sflag:s11], $0x1000  }
0x119: {  	[sflag:s11] =	ssyncset.done $0x0  }
0x11a: {  	[sflag:s11] =	ssyncadd.s32 $0xFFFFF000  }
0x11b: {  	_ =	swait.ge [sflag:s11], $0x1000  }
0x11c: {  	[sflag:s11] =	ssyncset.done $0x0  }
0x11d: {  	[sflag:s11] =	ssyncadd.s32 $0xFFFFF000  }
0x11e: {  	_ =	swait.ge [sflag:s11], $0x1000  }
0x11f: {  	[sflag:s11] =	ssyncset.done $0x0  }
0x120: {  	[sflag:s11] =	ssyncadd.s32 $0xFFFFF000  }
0x121: {  	_ =	swait.ge [sflag:s11], $0x1000  }
0x122: {  	s12 =	sadd.s32 $0x1, s12;
	s13 =	rddreg [dreg:$0x14]  }
0x123: {  	p0 =	sne.s32 s12, s13  }
.Ltmp3:
0x124: {  	_ = 	snop;
	(pc) =	sbr.rel @p0 .LBB2_1-.Ltmp3, $3  }
0x125: {  	_ =	sdelay $0x1  }
0x126: {  	[sflag:s11] =	ssyncset.done $0x0  }
0x127: {  	[sflag:s11] =	ssyncadd.s32 $0xFFFFF000  }
0x128: {  	_ =	sfence.sel $0x180000  }
0x129: {  	[bflag:$0x0] =	sbarrier.arrive $0xFFFF  }
0x12a: {  	_ =	strace $0x90000047  }
0x12b: {  	s0 =	stileid.u32;
	[bflag:$0x2] =	sbarrier.arrive $0xFFFF  }
0x12c: {  	p0 =	sne.s32 s0, $0x0;
	s0 =	rddreg [dreg:$0x3]  }
0x12d: {  	s0 =	sadd.s32 @!p0 $0x100000, s0  }
0x12e: {  	[sflag:s0] =	ssyncadd.tile.s32 @!p0 $0x1;
	_ =	shalt  }
.Lfunc_end2:
_tile_overlayer_lowered:
.L_overlay_start_2:
0x12f: {  	(tag) =	ssettag $0x2  }
0x130: {  	s0 =	rddreg [dreg:$0x0];
	s2 =	stileid.u32  }
0x131: {  	s1 =	rddreg [dreg:$0x1];
	p0 =	sne.s32 s2, $0x0  }
0x132: {  	s3 =	rddreg [dreg:$0x2];
	[bflag:$0x3] =	sbarrier.arrive $0xFFFF;
	s2 =	simm.s32 @!p0 $0x1C0D  }
0x133: {  	[timem:s3], [sflag:s2] =	dma.local @!p0 [hbm:s0], s1  }
0x134: {  	s0 =	simm.s32 @!p0 $0xD  }
0x135: {  	_ =	swait.ge @!p0 [sflag:s0], s1  }
0x136: {  	s1 =	ssub.s32 @!p0 $0x0, s1;
	[sflag:s0] =	ssyncset.done @!p0 $0x0  }
0x137: {  	[sflag:s0] =	ssyncadd.s32 @!p0 s1  }
0x138: {  	[bflag:$0x3] =	sbarrier.arrive $0xFFFF  }
0x139: {  	_ =	shalt  }

</sc_bundles>
